<compile_context>
chip_gen: v7x
topology: tpu7x:2x2x1
jax: 0.10.2.dev20260603
libtpu: 0.0.44.dev20260713+nightly
codegen_flags: <defaults>
</compile_context>

<pallas_src>
import functools

import jax
import jax.numpy as jnp
from jax import lax
from jax.experimental import pallas as pl
from jax.experimental.pallas import tpu as pltpu
from jax.experimental.pallas import tpu_sc as plsc

CHUNK = 640
NBUF = 4
LOOKAHEAD = 2


@functools.cache
def _make_gather(n, d):
    info = plsc.get_sparse_core_info()
    nc, ns = info.num_cores, info.num_subcores
    nw = nc * ns
    b_per_w = n // nw
    n_chunks = b_per_w // CHUNK
    groups = n_chunks // NBUF
    assert b_per_w * nw == n and n_chunks * CHUNK == b_per_w
    assert groups * NBUF == n_chunks and groups >= 3
    mesh = plsc.VectorSubcoreMesh(core_axis_name="c", subcore_axis_name="s")

    @functools.partial(
        pl.kernel,
        mesh=mesh,
        out_type=jax.ShapeDtypeStruct((nw * b_per_w, d), jnp.float32),
        compiler_params=pltpu.CompilerParams(use_tc_tiling_on_sc=False),
        scratch_types=(
            [pltpu.VMEM((n_chunks, CHUNK), jnp.int32)]
            + [pltpu.VMEM((CHUNK, d), jnp.float32) for _ in range(NBUF)]
            + [pltpu.SemaphoreType.DMA for _ in range(2 * NBUF)]
        ),
    )
    def gather(table_hbm, idx_hbm, out_hbm, idx_v, *scratch):
        rbufs = scratch[:NBUF]
        gsems = scratch[NBUF:2 * NBUF]
        ssems = scratch[2 * NBUF:]
        wid = lax.axis_index("s") * nc + lax.axis_index("c")
        base = wid * b_per_w

        pltpu.sync_copy(idx_hbm.at[pl.ds(wid * n_chunks, n_chunks)], idx_v)

        def g_copy(c, b):
            return pltpu.make_async_copy(
                table_hbm.at[idx_v.at[c]], rbufs[b], gsems[b])

        def s_copy(c, b):
            return pltpu.make_async_copy(
                rbufs[b], out_hbm.at[pl.ds(base + c * CHUNK, CHUNK)], ssems[b])

        for c in range(LOOKAHEAD):
            g_copy(c, c % NBUF).start()

        for b in range(NBUF):
            c = b
            if c + LOOKAHEAD >= NBUF:
                s_copy(c - LOOKAHEAD, (c + LOOKAHEAD) % NBUF).wait()
            g_copy(c + LOOKAHEAD, (c + LOOKAHEAD) % NBUF).start()
            g_copy(c, b).wait()
            s_copy(c, b).start()

        def body(g, carry):
            for b in range(NBUF):
                c = g * NBUF + b
                bg = (b + LOOKAHEAD) % NBUF
                s_copy(c - LOOKAHEAD, bg).wait()
                g_copy(c + LOOKAHEAD, bg).start()
                g_copy(c, b).wait()
                s_copy(c, b).start()
            return carry

        lax.fori_loop(1, groups - 1, body, 0)

        for b in range(NBUF):
            c = (groups - 1) * NBUF + b
            if c + LOOKAHEAD < n_chunks:
                bg = (b + LOOKAHEAD) % NBUF
                s_copy(c - LOOKAHEAD, bg).wait()
                g_copy(c + LOOKAHEAD, bg).start()
            g_copy(c, b).wait()
            s_copy(c, b).start()

        for b in range(NBUF):
            c = n_chunks - NBUF + b
            s_copy(c, b).wait()

    return gather


def kernel(x, emb):
    bsz, hist = x.shape
    d = emb.shape[1]
    n = x.size
    idx = x.T.reshape(n // CHUNK, CHUNK).astype(jnp.int32)
    out = _make_gather(n, d)(emb, idx)
    return out.reshape(hist, bsz, d).transpose(1, 0, 2)

# --- scband reference (transcript-rebuilt; emitter-appended) ---
"""Pipeline reference for scband-token-embedding-49331994362256 (READ-ONLY COPY).

The authoritative reference and input builder live on the scoring server;
editing this copy changes nothing except your own understanding.
"""

import jax, jax.numpy as jnp
import numpy as np

NUM_TOKENS = 1000000
DIM = 32
BATCH = 4096
HIST = 200

def setup_inputs(seed: int = 0) -> dict:
    key = jax.random.key(seed)
    k1, k2 = jax.random.split(key)
    x = jax.random.randint(k1, (BATCH, HIST), 0, NUM_TOKENS, dtype=jnp.int64 if jax.config.jax_enable_x64 else jnp.int32)
    emb = jax.random.normal(k2, (NUM_TOKENS, DIM), dtype=jnp.float32)
    return {"x": x, "emb": emb}

def reference(x, emb):
    # TokenEmbedding.forward with l2norm_embed=False: plain embedding lookup
    token_emb = jnp.take(emb, x.astype(jnp.int32), axis=0)
    return token_emb

if __name__ == "__main__":
    import jax
    _d = setup_inputs()
    print(jax.jit(kernel)(*tuple(_d.values())))

</pallas_src>

<mosaic_0001>
#map = affine_map<(d0, d1) -> (0, 0)>
module attributes {stable_mosaic.version = 14 : i64} {
  func.func @gather(%arg0: i32, %arg1: i32, %arg2: memref<1000000x32xf32, #tpu.memory_space<hbm>>, %arg3: memref<1280x640xi32, #tpu.memory_space<hbm>>, %arg4: memref<819200x32xf32, #tpu.memory_space<hbm>>, %arg5: memref<40x640xi32, #tpu.memory_space<vmem>>, %arg6: memref<640x32xf32, #tpu.memory_space<vmem>>, %arg7: memref<640x32xf32, #tpu.memory_space<vmem>>, %arg8: memref<640x32xf32, #tpu.memory_space<vmem>>, %arg9: memref<640x32xf32, #tpu.memory_space<vmem>>, %arg10: memref<!tpu.dma_semaphore, #tpu.memory_space<semaphore_mem>>, %arg11: memref<!tpu.dma_semaphore, #tpu.memory_space<semaphore_mem>>, %arg12: memref<!tpu.dma_semaphore, #tpu.memory_space<semaphore_mem>>, %arg13: memref<!tpu.dma_semaphore, #tpu.memory_space<semaphore_mem>>, %arg14: memref<!tpu.dma_semaphore, #tpu.memory_space<semaphore_mem>>, %arg15: memref<!tpu.dma_semaphore, #tpu.memory_space<semaphore_mem>>, %arg16: memref<!tpu.dma_semaphore, #tpu.memory_space<semaphore_mem>>, %arg17: memref<!tpu.dma_semaphore, #tpu.memory_space<semaphore_mem>>) attributes {dimension_semantics = [#tpu.dimension_semantics<core_parallel>, #tpu.dimension_semantics<subcore_parallel>], iteration_bounds = array<i64: 2, 16>, scalar_prefetch = 0 : i64, scratch_operands = 13 : i64, tpu.core_type = #tpu.core_type<sc_vector_subcore>, window_params = [{transform_indices = #map}, {transform_indices = #map}, {transform_indices = #map}]} {
    %mul3A = arith.constant 2 : i32
    %mul3A_0 = arith.muli %arg1, %mul3A : i32
    %add3A = arith.addi %mul3A_0, %arg0 : i32
    %mul3A_1 = arith.constant 25600 : i32
    %mul3A_2 = arith.muli %add3A, %mul3A_1 : i32
    %mul3A_3 = arith.constant 40 : i32
    %mul3A_4 = arith.muli %add3A, %mul3A_3 : i32
    "tpu.region"() ({
      %run_scoped3A = tpu.sem_alloc : memref<!tpu.dma_semaphore, #tpu.memory_space<semaphore_mem>>
      %dma_start3A_216 = arith.constant 0 : i32
      %dma_start3A_217 = tpu.memref_slice %arg3[%mul3A_4, %dma_start3A_216] : memref<1280x640xi32, #tpu.memory_space<hbm>> -> memref<40x640xi32, #tpu.memory_space<hbm>>
      %dma_start3A_218 = arith.constant 0 : i32
      %dma_start3A_219 = tpu.memref_slice %arg3[%mul3A_4, %dma_start3A_218] : memref<1280x640xi32, #tpu.memory_space<hbm>> -> memref<40x640xi32, #tpu.memory_space<hbm>>
      tpu.enqueue_dma source(%dma_start3A_219 : memref<40x640xi32, #tpu.memory_space<hbm>>) target(%arg5 : memref<40x640xi32, #tpu.memory_space<vmem>>) target_semaphore(%run_scoped3A : memref<!tpu.dma_semaphore, #tpu.memory_space<semaphore_mem>>)
      %dma_wait3A_220 = arith.constant 0 : i32
      %dma_wait3A_221 = tpu.memref_slice %arg3[%mul3A_4, %dma_wait3A_220] : memref<1280x640xi32, #tpu.memory_space<hbm>> -> memref<40x640xi32, #tpu.memory_space<hbm>>
      %dma_wait3A_222 = arith.constant 0 : i32
      %dma_wait3A_223 = tpu.memref_slice %arg3[%mul3A_4, %dma_wait3A_222] : memref<1280x640xi32, #tpu.memory_space<hbm>> -> memref<40x640xi32, #tpu.memory_space<hbm>>
      tpu.wait_dma2 semaphore(%run_scoped3A : memref<!tpu.dma_semaphore, #tpu.memory_space<semaphore_mem>>) src(%dma_wait3A_223 : memref<40x640xi32, #tpu.memory_space<hbm>>) dst(%arg5 : memref<40x640xi32, #tpu.memory_space<vmem>>)
      tpu.yield
    }) : () -> ()
    %dma_start3A = arith.constant 0 : i32
    %dma_start3A_5 = arith.constant 0 : i32
    %dma_start3A_6 = tpu.memref_slice %arg5[%dma_start3A, %dma_start3A_5] : memref<40x640xi32, #tpu.memory_space<vmem>> -> memref<1x640xi32, #tpu.memory_space<vmem>>
    %dma_start3A_7 = tpu.memref_squeeze %dma_start3A_6 : memref<1x640xi32, #tpu.memory_space<vmem>> -> memref<640xi32, #tpu.memory_space<vmem>>
    %dma_start3A_8 = arith.constant 0 : i32
    %dma_start3A_9 = arith.constant 0 : i32
    %dma_start3A_10 = tpu.memref_slice %arg2[%dma_start3A_8, %dma_start3A_9] : memref<1000000x32xf32, #tpu.memory_space<hbm>> -> memref<1000000x32xf32, #tpu.memory_space<hbm>>
    tpu.enqueue_indirect_dma source(%dma_start3A_10 : memref<1000000x32xf32, #tpu.memory_space<hbm>>) target(%arg6 : memref<640x32xf32, #tpu.memory_space<vmem>>) offsets(%dma_start3A_7 : memref<640xi32, #tpu.memory_space<vmem>>) semaphore(%arg10 : memref<!tpu.dma_semaphore, #tpu.memory_space<semaphore_mem>>)
    %dma_start3A_11 = arith.constant 1 : i32
    %dma_start3A_12 = arith.constant 0 : i32
    %dma_start3A_13 = tpu.memref_slice %arg5[%dma_start3A_11, %dma_start3A_12] : memref<40x640xi32, #tpu.memory_space<vmem>> -> memref<1x640xi32, #tpu.memory_space<vmem>>
    %dma_start3A_14 = tpu.memref_squeeze %dma_start3A_13 : memref<1x640xi32, #tpu.memory_space<vmem>> -> memref<640xi32, #tpu.memory_space<vmem>>
    %dma_start3A_15 = arith.constant 0 : i32
    %dma_start3A_16 = arith.constant 0 : i32
    %dma_start3A_17 = tpu.memref_slice %arg2[%dma_start3A_15, %dma_start3A_16] : memref<1000000x32xf32, #tpu.memory_space<hbm>> -> memref<1000000x32xf32, #tpu.memory_space<hbm>>
    tpu.enqueue_indirect_dma source(%dma_start3A_17 : memref<1000000x32xf32, #tpu.memory_space<hbm>>) target(%arg7 : memref<640x32xf32, #tpu.memory_space<vmem>>) offsets(%dma_start3A_14 : memref<640xi32, #tpu.memory_space<vmem>>) semaphore(%arg11 : memref<!tpu.dma_semaphore, #tpu.memory_space<semaphore_mem>>)
    %dma_start3A_18 = arith.constant 2 : i32
    %dma_start3A_19 = arith.constant 0 : i32
    %dma_start3A_20 = tpu.memref_slice %arg5[%dma_start3A_18, %dma_start3A_19] : memref<40x640xi32, #tpu.memory_space<vmem>> -> memref<1x640xi32, #tpu.memory_space<vmem>>
    %dma_start3A_21 = tpu.memref_squeeze %dma_start3A_20 : memref<1x640xi32, #tpu.memory_space<vmem>> -> memref<640xi32, #tpu.memory_space<vmem>>
    %dma_start3A_22 = arith.constant 0 : i32
    %dma_start3A_23 = arith.constant 0 : i32
    %dma_start3A_24 = tpu.memref_slice %arg2[%dma_start3A_22, %dma_start3A_23] : memref<1000000x32xf32, #tpu.memory_space<hbm>> -> memref<1000000x32xf32, #tpu.memory_space<hbm>>
    tpu.enqueue_indirect_dma source(%dma_start3A_24 : memref<1000000x32xf32, #tpu.memory_space<hbm>>) target(%arg8 : memref<640x32xf32, #tpu.memory_space<vmem>>) offsets(%dma_start3A_21 : memref<640xi32, #tpu.memory_space<vmem>>) semaphore(%arg12 : memref<!tpu.dma_semaphore, #tpu.memory_space<semaphore_mem>>)
    %dma_wait3A = arith.constant 0 : i32
    %dma_wait3A_25 = arith.constant 0 : i32
    %dma_wait3A_26 = tpu.memref_slice %arg5[%dma_wait3A, %dma_wait3A_25] : memref<40x640xi32, #tpu.memory_space<vmem>> -> memref<1x640xi32, #tpu.memory_space<vmem>>
    %dma_wait3A_27 = tpu.memref_squeeze %dma_wait3A_26 : memref<1x640xi32, #tpu.memory_space<vmem>> -> memref<640xi32, #tpu.memory_space<vmem>>
    %dma_wait3A_28 = arith.constant 0 : i32
    %dma_wait3A_29 = arith.constant 0 : i32
    %dma_wait3A_30 = tpu.memref_slice %arg2[%dma_wait3A_28, %dma_wait3A_29] : memref<1000000x32xf32, #tpu.memory_space<hbm>> -> memref<1000000x32xf32, #tpu.memory_space<hbm>>
    tpu.wait_indirect_dma semaphore(%arg10 : memref<!tpu.dma_semaphore, #tpu.memory_space<semaphore_mem>>) src(%dma_wait3A_30 : memref<1000000x32xf32, #tpu.memory_space<hbm>>) dst(%arg6 : memref<640x32xf32, #tpu.memory_space<vmem>>)
    %add3A_31 = arith.constant 0 : i32
    %add3A_32 = arith.addi %mul3A_2, %add3A_31 : i32
    %dma_start3A_33 = arith.constant 0 : i32
    %dma_start3A_34 = tpu.memref_slice %arg4[%add3A_32, %dma_start3A_33] : memref<819200x32xf32, #tpu.memory_space<hbm>> -> memref<640x32xf32, #tpu.memory_space<hbm>>
    %dma_start3A_35 = arith.constant 0 : i32
    %dma_start3A_36 = tpu.memref_slice %arg4[%add3A_32, %dma_start3A_35] : memref<819200x32xf32, #tpu.memory_space<hbm>> -> memref<640x32xf32, #tpu.memory_space<hbm>>
    tpu.enqueue_dma source(%arg6 : memref<640x32xf32, #tpu.memory_space<vmem>>) target(%dma_start3A_36 : memref<640x32xf32, #tpu.memory_space<hbm>>) target_semaphore(%arg14 : memref<!tpu.dma_semaphore, #tpu.memory_space<semaphore_mem>>)
    %dma_start3A_37 = arith.constant 3 : i32
    %dma_start3A_38 = arith.constant 0 : i32
    %dma_start3A_39 = tpu.memref_slice %arg5[%dma_start3A_37, %dma_start3A_38] : memref<40x640xi32, #tpu.memory_space<vmem>> -> memref<1x640xi32, #tpu.memory_space<vmem>>
    %dma_start3A_40 = tpu.memref_squeeze %dma_start3A_39 : memref<1x640xi32, #tpu.memory_space<vmem>> -> memref<640xi32, #tpu.memory_space<vmem>>
    %dma_start3A_41 = arith.constant 0 : i32
    %dma_start3A_42 = arith.constant 0 : i32
    %dma_start3A_43 = tpu.memref_slice %arg2[%dma_start3A_41, %dma_start3A_42] : memref<1000000x32xf32, #tpu.memory_space<hbm>> -> memref<1000000x32xf32, #tpu.memory_space<hbm>>
    tpu.enqueue_indirect_dma source(%dma_start3A_43 : memref<1000000x32xf32, #tpu.memory_space<hbm>>) target(%arg9 : memref<640x32xf32, #tpu.memory_space<vmem>>) offsets(%dma_start3A_40 : memref<640xi32, #tpu.memory_space<vmem>>) semaphore(%arg13 : memref<!tpu.dma_semaphore, #tpu.memory_space<semaphore_mem>>)
    %dma_wait3A_44 = arith.constant 1 : i32
    %dma_wait3A_45 = arith.constant 0 : i32
    %dma_wait3A_46 = tpu.memref_slice %arg5[%dma_wait3A_44, %dma_wait3A_45] : memref<40x640xi32, #tpu.memory_space<vmem>> -> memref<1x640xi32, #tpu.memory_space<vmem>>
    %dma_wait3A_47 = tpu.memref_squeeze %dma_wait3A_46 : memref<1x640xi32, #tpu.memory_space<vmem>> -> memref<640xi32, #tpu.memory_space<vmem>>
    %dma_wait3A_48 = arith.constant 0 : i32
    %dma_wait3A_49 = arith.constant 0 : i32
    %dma_wait3A_50 = tpu.memref_slice %arg2[%dma_wait3A_48, %dma_wait3A_49] : memref<1000000x32xf32, #tpu.memory_space<hbm>> -> memref<1000000x32xf32, #tpu.memory_space<hbm>>
    tpu.wait_indirect_dma semaphore(%arg11 : memref<!tpu.dma_semaphore, #tpu.memory_space<semaphore_mem>>) src(%dma_wait3A_50 : memref<1000000x32xf32, #tpu.memory_space<hbm>>) dst(%arg7 : memref<640x32xf32, #tpu.memory_space<vmem>>)
    %add3A_51 = arith.constant 640 : i32
    %add3A_52 = arith.addi %mul3A_2, %add3A_51 : i32
    %dma_start3A_53 = arith.constant 0 : i32
    %dma_start3A_54 = tpu.memref_slice %arg4[%add3A_52, %dma_start3A_53] : memref<819200x32xf32, #tpu.memory_space<hbm>> -> memref<640x32xf32, #tpu.memory_space<hbm>>
    %dma_start3A_55 = arith.constant 0 : i32
    %dma_start3A_56 = tpu.memref_slice %arg4[%add3A_52, %dma_start3A_55] : memref<819200x32xf32, #tpu.memory_space<hbm>> -> memref<640x32xf32, #tpu.memory_space<hbm>>
    tpu.enqueue_dma source(%arg7 : memref<640x32xf32, #tpu.memory_space<vmem>>) target(%dma_start3A_56 : memref<640x32xf32, #tpu.memory_space<hbm>>) target_semaphore(%arg15 : memref<!tpu.dma_semaphore, #tpu.memory_space<semaphore_mem>>)
    %add3A_57 = arith.constant 0 : i32
    %add3A_58 = arith.addi %mul3A_2, %add3A_57 : i32
    %dma_wait3A_59 = arith.constant 0 : i32
    %dma_wait3A_60 = tpu.memref_slice %arg4[%add3A_58, %dma_wait3A_59] : memref<819200x32xf32, #tpu.memory_space<hbm>> -> memref<640x32xf32, #tpu.memory_space<hbm>>
    %dma_wait3A_61 = arith.constant 0 : i32
    %dma_wait3A_62 = tpu.memref_slice %arg4[%add3A_58, %dma_wait3A_61] : memref<819200x32xf32, #tpu.memory_space<hbm>> -> memref<640x32xf32, #tpu.memory_space<hbm>>
    tpu.wait_dma2 semaphore(%arg14 : memref<!tpu.dma_semaphore, #tpu.memory_space<semaphore_mem>>) src(%arg6 : memref<640x32xf32, #tpu.memory_space<vmem>>) dst(%dma_wait3A_62 : memref<640x32xf32, #tpu.memory_space<hbm>>)
    %dma_start3A_63 = arith.constant 4 : i32
    %dma_start3A_64 = arith.constant 0 : i32
    %dma_start3A_65 = tpu.memref_slice %arg5[%dma_start3A_63, %dma_start3A_64] : memref<40x640xi32, #tpu.memory_space<vmem>> -> memref<1x640xi32, #tpu.memory_space<vmem>>
    %dma_start3A_66 = tpu.memref_squeeze %dma_start3A_65 : memref<1x640xi32, #tpu.memory_space<vmem>> -> memref<640xi32, #tpu.memory_space<vmem>>
    %dma_start3A_67 = arith.constant 0 : i32
    %dma_start3A_68 = arith.constant 0 : i32
    %dma_start3A_69 = tpu.memref_slice %arg2[%dma_start3A_67, %dma_start3A_68] : memref<1000000x32xf32, #tpu.memory_space<hbm>> -> memref<1000000x32xf32, #tpu.memory_space<hbm>>
    tpu.enqueue_indirect_dma source(%dma_start3A_69 : memref<1000000x32xf32, #tpu.memory_space<hbm>>) target(%arg6 : memref<640x32xf32, #tpu.memory_space<vmem>>) offsets(%dma_start3A_66 : memref<640xi32, #tpu.memory_space<vmem>>) semaphore(%arg10 : memref<!tpu.dma_semaphore, #tpu.memory_space<semaphore_mem>>)
    %dma_wait3A_70 = arith.constant 2 : i32
    %dma_wait3A_71 = arith.constant 0 : i32
    %dma_wait3A_72 = tpu.memref_slice %arg5[%dma_wait3A_70, %dma_wait3A_71] : memref<40x640xi32, #tpu.memory_space<vmem>> -> memref<1x640xi32, #tpu.memory_space<vmem>>
    %dma_wait3A_73 = tpu.memref_squeeze %dma_wait3A_72 : memref<1x640xi32, #tpu.memory_space<vmem>> -> memref<640xi32, #tpu.memory_space<vmem>>
    %dma_wait3A_74 = arith.constant 0 : i32
    %dma_wait3A_75 = arith.constant 0 : i32
    %dma_wait3A_76 = tpu.memref_slice %arg2[%dma_wait3A_74, %dma_wait3A_75] : memref<1000000x32xf32, #tpu.memory_space<hbm>> -> memref<1000000x32xf32, #tpu.memory_space<hbm>>
    tpu.wait_indirect_dma semaphore(%arg12 : memref<!tpu.dma_semaphore, #tpu.memory_space<semaphore_mem>>) src(%dma_wait3A_76 : memref<1000000x32xf32, #tpu.memory_space<hbm>>) dst(%arg8 : memref<640x32xf32, #tpu.memory_space<vmem>>)
    %add3A_77 = arith.constant 1280 : i32
    %add3A_78 = arith.addi %mul3A_2, %add3A_77 : i32
    %dma_start3A_79 = arith.constant 0 : i32
    %dma_start3A_80 = tpu.memref_slice %arg4[%add3A_78, %dma_start3A_79] : memref<819200x32xf32, #tpu.memory_space<hbm>> -> memref<640x32xf32, #tpu.memory_space<hbm>>
    %dma_start3A_81 = arith.constant 0 : i32
    %dma_start3A_82 = tpu.memref_slice %arg4[%add3A_78, %dma_start3A_81] : memref<819200x32xf32, #tpu.memory_space<hbm>> -> memref<640x32xf32, #tpu.memory_space<hbm>>
    tpu.enqueue_dma source(%arg8 : memref<640x32xf32, #tpu.memory_space<vmem>>) target(%dma_start3A_82 : memref<640x32xf32, #tpu.memory_space<hbm>>) target_semaphore(%arg16 : memref<!tpu.dma_semaphore, #tpu.memory_space<semaphore_mem>>)
    %add3A_83 = arith.constant 640 : i32
    %add3A_84 = arith.addi %mul3A_2, %add3A_83 : i32
    %dma_wait3A_85 = arith.constant 0 : i32
    %dma_wait3A_86 = tpu.memref_slice %arg4[%add3A_84, %dma_wait3A_85] : memref<819200x32xf32, #tpu.memory_space<hbm>> -> memref<640x32xf32, #tpu.memory_space<hbm>>
    %dma_wait3A_87 = arith.constant 0 : i32
    %dma_wait3A_88 = tpu.memref_slice %arg4[%add3A_84, %dma_wait3A_87] : memref<819200x32xf32, #tpu.memory_space<hbm>> -> memref<640x32xf32, #tpu.memory_space<hbm>>
    tpu.wait_dma2 semaphore(%arg15 : memref<!tpu.dma_semaphore, #tpu.memory_space<semaphore_mem>>) src(%arg7 : memref<640x32xf32, #tpu.memory_space<vmem>>) dst(%dma_wait3A_88 : memref<640x32xf32, #tpu.memory_space<hbm>>)
    %dma_start3A_89 = arith.constant 5 : i32
    %dma_start3A_90 = arith.constant 0 : i32
    %dma_start3A_91 = tpu.memref_slice %arg5[%dma_start3A_89, %dma_start3A_90] : memref<40x640xi32, #tpu.memory_space<vmem>> -> memref<1x640xi32, #tpu.memory_space<vmem>>
    %dma_start3A_92 = tpu.memref_squeeze %dma_start3A_91 : memref<1x640xi32, #tpu.memory_space<vmem>> -> memref<640xi32, #tpu.memory_space<vmem>>
    %dma_start3A_93 = arith.constant 0 : i32
    %dma_start3A_94 = arith.constant 0 : i32
    %dma_start3A_95 = tpu.memref_slice %arg2[%dma_start3A_93, %dma_start3A_94] : memref<1000000x32xf32, #tpu.memory_space<hbm>> -> memref<1000000x32xf32, #tpu.memory_space<hbm>>
    tpu.enqueue_indirect_dma source(%dma_start3A_95 : memref<1000000x32xf32, #tpu.memory_space<hbm>>) target(%arg7 : memref<640x32xf32, #tpu.memory_space<vmem>>) offsets(%dma_start3A_92 : memref<640xi32, #tpu.memory_space<vmem>>) semaphore(%arg11 : memref<!tpu.dma_semaphore, #tpu.memory_space<semaphore_mem>>)
    %dma_wait3A_96 = arith.constant 3 : i32
    %dma_wait3A_97 = arith.constant 0 : i32
    %dma_wait3A_98 = tpu.memref_slice %arg5[%dma_wait3A_96, %dma_wait3A_97] : memref<40x640xi32, #tpu.memory_space<vmem>> -> memref<1x640xi32, #tpu.memory_space<vmem>>
    %dma_wait3A_99 = tpu.memref_squeeze %dma_wait3A_98 : memref<1x640xi32, #tpu.memory_space<vmem>> -> memref<640xi32, #tpu.memory_space<vmem>>
    %dma_wait3A_100 = arith.constant 0 : i32
    %dma_wait3A_101 = arith.constant 0 : i32
    %dma_wait3A_102 = tpu.memref_slice %arg2[%dma_wait3A_100, %dma_wait3A_101] : memref<1000000x32xf32, #tpu.memory_space<hbm>> -> memref<1000000x32xf32, #tpu.memory_space<hbm>>
    tpu.wait_indirect_dma semaphore(%arg13 : memref<!tpu.dma_semaphore, #tpu.memory_space<semaphore_mem>>) src(%dma_wait3A_102 : memref<1000000x32xf32, #tpu.memory_space<hbm>>) dst(%arg9 : memref<640x32xf32, #tpu.memory_space<vmem>>)
    %add3A_103 = arith.constant 1920 : i32
    %add3A_104 = arith.addi %mul3A_2, %add3A_103 : i32
    %dma_start3A_105 = arith.constant 0 : i32
    %dma_start3A_106 = tpu.memref_slice %arg4[%add3A_104, %dma_start3A_105] : memref<819200x32xf32, #tpu.memory_space<hbm>> -> memref<640x32xf32, #tpu.memory_space<hbm>>
    %dma_start3A_107 = arith.constant 0 : i32
    %dma_start3A_108 = tpu.memref_slice %arg4[%add3A_104, %dma_start3A_107] : memref<819200x32xf32, #tpu.memory_space<hbm>> -> memref<640x32xf32, #tpu.memory_space<hbm>>
    tpu.enqueue_dma source(%arg9 : memref<640x32xf32, #tpu.memory_space<vmem>>) target(%dma_start3A_108 : memref<640x32xf32, #tpu.memory_space<hbm>>) target_semaphore(%arg17 : memref<!tpu.dma_semaphore, #tpu.memory_space<semaphore_mem>>)
    %scan3A = arith.constant 0 : i32
    %scan3A_109 = arith.constant 1 : i32
    %scan3A_110 = arith.constant 8 : i32
    %scan3A_111 = arith.addi %scan3A_109, %scan3A_110 : i32
    %scan3A_112 = arith.constant 1 : i32
    scf.for %scan3A_216 = %scan3A_109 to %scan3A_111 step %scan3A_112  : i32 {
      %mul3A_217 = arith.constant 4 : i32
      %mul3A_218 = arith.muli %scan3A_216, %mul3A_217 : i32
      %add3A_219 = arith.constant 0 : i32
      %add3A_220 = arith.addi %mul3A_218, %add3A_219 : i32
      %sub3A = arith.constant 2 : i32
      %sub3A_221 = arith.subi %add3A_220, %sub3A : i32
      %mul3A_222 = arith.constant 640 : i32
      %mul3A_223 = arith.muli %sub3A_221, %mul3A_222 : i32
      %add3A_224 = arith.addi %mul3A_2, %mul3A_223 : i32
      %dma_wait3A_225 = arith.constant 0 : i32
      %dma_wait3A_226 = tpu.memref_slice %arg4[%add3A_224, %dma_wait3A_225] : memref<819200x32xf32, #tpu.memory_space<hbm>> -> memref<640x32xf32, #tpu.memory_space<hbm>>
      %dma_wait3A_227 = arith.constant 0 : i32
      %dma_wait3A_228 = tpu.memref_slice %arg4[%add3A_224, %dma_wait3A_227] : memref<819200x32xf32, #tpu.memory_space<hbm>> -> memref<640x32xf32, #tpu.memory_space<hbm>>
      tpu.wait_dma2 semaphore(%arg16 : memref<!tpu.dma_semaphore, #tpu.memory_space<semaphore_mem>>) src(%arg8 : memref<640x32xf32, #tpu.memory_space<vmem>>) dst(%dma_wait3A_228 : memref<640x32xf32, #tpu.memory_space<hbm>>)
      %add3A_229 = arith.constant 2 : i32
      %add3A_230 = arith.addi %add3A_220, %add3A_229 : i32
      %dma_start3A_231 = arith.constant 0 : i32
      %dma_start3A_232 = tpu.memref_slice %arg5[%add3A_230, %dma_start3A_231] : memref<40x640xi32, #tpu.memory_space<vmem>> -> memref<1x640xi32, #tpu.memory_space<vmem>>
      %dma_start3A_233 = tpu.memref_squeeze %dma_start3A_232 : memref<1x640xi32, #tpu.memory_space<vmem>> -> memref<640xi32, #tpu.memory_space<vmem>>
      %dma_start3A_234 = arith.constant 0 : i32
      %dma_start3A_235 = arith.constant 0 : i32
      %dma_start3A_236 = tpu.memref_slice %arg2[%dma_start3A_234, %dma_start3A_235] : memref<1000000x32xf32, #tpu.memory_space<hbm>> -> memref<1000000x32xf32, #tpu.memory_space<hbm>>
      tpu.enqueue_indirect_dma source(%dma_start3A_236 : memref<1000000x32xf32, #tpu.memory_space<hbm>>) target(%arg8 : memref<640x32xf32, #tpu.memory_space<vmem>>) offsets(%dma_start3A_233 : memref<640xi32, #tpu.memory_space<vmem>>) semaphore(%arg12 : memref<!tpu.dma_semaphore, #tpu.memory_space<semaphore_mem>>)
      %dma_wait3A_237 = arith.constant 0 : i32
      %dma_wait3A_238 = tpu.memref_slice %arg5[%add3A_220, %dma_wait3A_237] : memref<40x640xi32, #tpu.memory_space<vmem>> -> memref<1x640xi32, #tpu.memory_space<vmem>>
      %dma_wait3A_239 = tpu.memref_squeeze %dma_wait3A_238 : memref<1x640xi32, #tpu.memory_space<vmem>> -> memref<640xi32, #tpu.memory_space<vmem>>
      %dma_wait3A_240 = arith.constant 0 : i32
      %dma_wait3A_241 = arith.constant 0 : i32
      %dma_wait3A_242 = tpu.memref_slice %arg2[%dma_wait3A_240, %dma_wait3A_241] : memref<1000000x32xf32, #tpu.memory_space<hbm>> -> memref<1000000x32xf32, #tpu.memory_space<hbm>>
      tpu.wait_indirect_dma semaphore(%arg10 : memref<!tpu.dma_semaphore, #tpu.memory_space<semaphore_mem>>) src(%dma_wait3A_242 : memref<1000000x32xf32, #tpu.memory_space<hbm>>) dst(%arg6 : memref<640x32xf32, #tpu.memory_space<vmem>>)
      %mul3A_243 = arith.constant 640 : i32
      %mul3A_244 = arith.muli %add3A_220, %mul3A_243 : i32
      %add3A_245 = arith.addi %mul3A_2, %mul3A_244 : i32
      %dma_start3A_246 = arith.constant 0 : i32
      %dma_start3A_247 = tpu.memref_slice %arg4[%add3A_245, %dma_start3A_246] : memref<819200x32xf32, #tpu.memory_space<hbm>> -> memref<640x32xf32, #tpu.memory_space<hbm>>
      %dma_start3A_248 = arith.constant 0 : i32
      %dma_start3A_249 = tpu.memref_slice %arg4[%add3A_245, %dma_start3A_248] : memref<819200x32xf32, #tpu.memory_space<hbm>> -> memref<640x32xf32, #tpu.memory_space<hbm>>
      tpu.enqueue_dma source(%arg6 : memref<640x32xf32, #tpu.memory_space<vmem>>) target(%dma_start3A_249 : memref<640x32xf32, #tpu.memory_space<hbm>>) target_semaphore(%arg14 : memref<!tpu.dma_semaphore, #tpu.memory_space<semaphore_mem>>)
      %mul3A_250 = arith.constant 4 : i32
      %mul3A_251 = arith.muli %scan3A_216, %mul3A_250 : i32
      %add3A_252 = arith.constant 1 : i32
      %add3A_253 = arith.addi %mul3A_251, %add3A_252 : i32
      %sub3A_254 = arith.constant 2 : i32
      %sub3A_255 = arith.subi %add3A_253, %sub3A_254 : i32
      %mul3A_256 = arith.constant 640 : i32
      %mul3A_257 = arith.muli %sub3A_255, %mul3A_256 : i32
      %add3A_258 = arith.addi %mul3A_2, %mul3A_257 : i32
      %dma_wait3A_259 = arith.constant 0 : i32
      %dma_wait3A_260 = tpu.memref_slice %arg4[%add3A_258, %dma_wait3A_259] : memref<819200x32xf32, #tpu.memory_space<hbm>> -> memref<640x32xf32, #tpu.memory_space<hbm>>
      %dma_wait3A_261 = arith.constant 0 : i32
      %dma_wait3A_262 = tpu.memref_slice %arg4[%add3A_258, %dma_wait3A_261] : memref<819200x32xf32, #tpu.memory_space<hbm>> -> memref<640x32xf32, #tpu.memory_space<hbm>>
      tpu.wait_dma2 semaphore(%arg17 : memref<!tpu.dma_semaphore, #tpu.memory_space<semaphore_mem>>) src(%arg9 : memref<640x32xf32, #tpu.memory_space<vmem>>) dst(%dma_wait3A_262 : memref<640x32xf32, #tpu.memory_space<hbm>>)
      %add3A_263 = arith.constant 2 : i32
      %add3A_264 = arith.addi %add3A_253, %add3A_263 : i32
      %dma_start3A_265 = arith.constant 0 : i32
      %dma_start3A_266 = tpu.memref_slice %arg5[%add3A_264, %dma_start3A_265] : memref<40x640xi32, #tpu.memory_space<vmem>> -> memref<1x640xi32, #tpu.memory_space<vmem>>
      %dma_start3A_267 = tpu.memref_squeeze %dma_start3A_266 : memref<1x640xi32, #tpu.memory_space<vmem>> -> memref<640xi32, #tpu.memory_space<vmem>>
      %dma_start3A_268 = arith.constant 0 : i32
      %dma_start3A_269 = arith.constant 0 : i32
      %dma_start3A_270 = tpu.memref_slice %arg2[%dma_start3A_268, %dma_start3A_269] : memref<1000000x32xf32, #tpu.memory_space<hbm>> -> memref<1000000x32xf32, #tpu.memory_space<hbm>>
      tpu.enqueue_indirect_dma source(%dma_start3A_270 : memref<1000000x32xf32, #tpu.memory_space<hbm>>) target(%arg9 : memref<640x32xf32, #tpu.memory_space<vmem>>) offsets(%dma_start3A_267 : memref<640xi32, #tpu.memory_space<vmem>>) semaphore(%arg13 : memref<!tpu.dma_semaphore, #tpu.memory_space<semaphore_mem>>)
      %dma_wait3A_271 = arith.constant 0 : i32
      %dma_wait3A_272 = tpu.memref_slice %arg5[%add3A_253, %dma_wait3A_271] : memref<40x640xi32, #tpu.memory_space<vmem>> -> memref<1x640xi32, #tpu.memory_space<vmem>>
      %dma_wait3A_273 = tpu.memref_squeeze %dma_wait3A_272 : memref<1x640xi32, #tpu.memory_space<vmem>> -> memref<640xi32, #tpu.memory_space<vmem>>
      %dma_wait3A_274 = arith.constant 0 : i32
      %dma_wait3A_275 = arith.constant 0 : i32
      %dma_wait3A_276 = tpu.memref_slice %arg2[%dma_wait3A_274, %dma_wait3A_275] : memref<1000000x32xf32, #tpu.memory_space<hbm>> -> memref<1000000x32xf32, #tpu.memory_space<hbm>>
      tpu.wait_indirect_dma semaphore(%arg11 : memref<!tpu.dma_semaphore, #tpu.memory_space<semaphore_mem>>) src(%dma_wait3A_276 : memref<1000000x32xf32, #tpu.memory_space<hbm>>) dst(%arg7 : memref<640x32xf32, #tpu.memory_space<vmem>>)
      %mul3A_277 = arith.constant 640 : i32
      %mul3A_278 = arith.muli %add3A_253, %mul3A_277 : i32
      %add3A_279 = arith.addi %mul3A_2, %mul3A_278 : i32
      %dma_start3A_280 = arith.constant 0 : i32
      %dma_start3A_281 = tpu.memref_slice %arg4[%add3A_279, %dma_start3A_280] : memref<819200x32xf32, #tpu.memory_space<hbm>> -> memref<640x32xf32, #tpu.memory_space<hbm>>
      %dma_start3A_282 = arith.constant 0 : i32
      %dma_start3A_283 = tpu.memref_slice %arg4[%add3A_279, %dma_start3A_282] : memref<819200x32xf32, #tpu.memory_space<hbm>> -> memref<640x32xf32, #tpu.memory_space<hbm>>
      tpu.enqueue_dma source(%arg7 : memref<640x32xf32, #tpu.memory_space<vmem>>) target(%dma_start3A_283 : memref<640x32xf32, #tpu.memory_space<hbm>>) target_semaphore(%arg15 : memref<!tpu.dma_semaphore, #tpu.memory_space<semaphore_mem>>)
      %mul3A_284 = arith.constant 4 : i32
      %mul3A_285 = arith.muli %scan3A_216, %mul3A_284 : i32
      %add3A_286 = arith.constant 2 : i32
      %add3A_287 = arith.addi %mul3A_285, %add3A_286 : i32
      %sub3A_288 = arith.constant 2 : i32
      %sub3A_289 = arith.subi %add3A_287, %sub3A_288 : i32
      %mul3A_290 = arith.constant 640 : i32
      %mul3A_291 = arith.muli %sub3A_289, %mul3A_290 : i32
      %add3A_292 = arith.addi %mul3A_2, %mul3A_291 : i32
      %dma_wait3A_293 = arith.constant 0 : i32
      %dma_wait3A_294 = tpu.memref_slice %arg4[%add3A_292, %dma_wait3A_293] : memref<819200x32xf32, #tpu.memory_space<hbm>> -> memref<640x32xf32, #tpu.memory_space<hbm>>
      %dma_wait3A_295 = arith.constant 0 : i32
      %dma_wait3A_296 = tpu.memref_slice %arg4[%add3A_292, %dma_wait3A_295] : memref<819200x32xf32, #tpu.memory_space<hbm>> -> memref<640x32xf32, #tpu.memory_space<hbm>>
      tpu.wait_dma2 semaphore(%arg14 : memref<!tpu.dma_semaphore, #tpu.memory_space<semaphore_mem>>) src(%arg6 : memref<640x32xf32, #tpu.memory_space<vmem>>) dst(%dma_wait3A_296 : memref<640x32xf32, #tpu.memory_space<hbm>>)
      %add3A_297 = arith.constant 2 : i32
      %add3A_298 = arith.addi %add3A_287, %add3A_297 : i32
      %dma_start3A_299 = arith.constant 0 : i32
      %dma_start3A_300 = tpu.memref_slice %arg5[%add3A_298, %dma_start3A_299] : memref<40x640xi32, #tpu.memory_space<vmem>> -> memref<1x640xi32, #tpu.memory_space<vmem>>
      %dma_start3A_301 = tpu.memref_squeeze %dma_start3A_300 : memref<1x640xi32, #tpu.memory_space<vmem>> -> memref<640xi32, #tpu.memory_space<vmem>>
      %dma_start3A_302 = arith.constant 0 : i32
      %dma_start3A_303 = arith.constant 0 : i32
      %dma_start3A_304 = tpu.memref_slice %arg2[%dma_start3A_302, %dma_start3A_303] : memref<1000000x32xf32, #tpu.memory_space<hbm>> -> memref<1000000x32xf32, #tpu.memory_space<hbm>>
      tpu.enqueue_indirect_dma source(%dma_start3A_304 : memref<1000000x32xf32, #tpu.memory_space<hbm>>) target(%arg6 : memref<640x32xf32, #tpu.memory_space<vmem>>) offsets(%dma_start3A_301 : memref<640xi32, #tpu.memory_space<vmem>>) semaphore(%arg10 : memref<!tpu.dma_semaphore, #tpu.memory_space<semaphore_mem>>)
      %dma_wait3A_305 = arith.constant 0 : i32
      %dma_wait3A_306 = tpu.memref_slice %arg5[%add3A_287, %dma_wait3A_305] : memref<40x640xi32, #tpu.memory_space<vmem>> -> memref<1x640xi32, #tpu.memory_space<vmem>>
      %dma_wait3A_307 = tpu.memref_squeeze %dma_wait3A_306 : memref<1x640xi32, #tpu.memory_space<vmem>> -> memref<640xi32, #tpu.memory_space<vmem>>
      %dma_wait3A_308 = arith.constant 0 : i32
      %dma_wait3A_309 = arith.constant 0 : i32
      %dma_wait3A_310 = tpu.memref_slice %arg2[%dma_wait3A_308, %dma_wait3A_309] : memref<1000000x32xf32, #tpu.memory_space<hbm>> -> memref<1000000x32xf32, #tpu.memory_space<hbm>>
      tpu.wait_indirect_dma semaphore(%arg12 : memref<!tpu.dma_semaphore, #tpu.memory_space<semaphore_mem>>) src(%dma_wait3A_310 : memref<1000000x32xf32, #tpu.memory_space<hbm>>) dst(%arg8 : memref<640x32xf32, #tpu.memory_space<vmem>>)
      %mul3A_311 = arith.constant 640 : i32
      %mul3A_312 = arith.muli %add3A_287, %mul3A_311 : i32
      %add3A_313 = arith.addi %mul3A_2, %mul3A_312 : i32
      %dma_start3A_314 = arith.constant 0 : i32
      %dma_start3A_315 = tpu.memref_slice %arg4[%add3A_313, %dma_start3A_314] : memref<819200x32xf32, #tpu.memory_space<hbm>> -> memref<640x32xf32, #tpu.memory_space<hbm>>
      %dma_start3A_316 = arith.constant 0 : i32
      %dma_start3A_317 = tpu.memref_slice %arg4[%add3A_313, %dma_start3A_316] : memref<819200x32xf32, #tpu.memory_space<hbm>> -> memref<640x32xf32, #tpu.memory_space<hbm>>
      tpu.enqueue_dma source(%arg8 : memref<640x32xf32, #tpu.memory_space<vmem>>) target(%dma_start3A_317 : memref<640x32xf32, #tpu.memory_space<hbm>>) target_semaphore(%arg16 : memref<!tpu.dma_semaphore, #tpu.memory_space<semaphore_mem>>)
      %mul3A_318 = arith.constant 4 : i32
      %mul3A_319 = arith.muli %scan3A_216, %mul3A_318 : i32
      %add3A_320 = arith.constant 3 : i32
      %add3A_321 = arith.addi %mul3A_319, %add3A_320 : i32
      %sub3A_322 = arith.constant 2 : i32
      %sub3A_323 = arith.subi %add3A_321, %sub3A_322 : i32
      %mul3A_324 = arith.constant 640 : i32
      %mul3A_325 = arith.muli %sub3A_323, %mul3A_324 : i32
      %add3A_326 = arith.addi %mul3A_2, %mul3A_325 : i32
      %dma_wait3A_327 = arith.constant 0 : i32
      %dma_wait3A_328 = tpu.memref_slice %arg4[%add3A_326, %dma_wait3A_327] : memref<819200x32xf32, #tpu.memory_space<hbm>> -> memref<640x32xf32, #tpu.memory_space<hbm>>
      %dma_wait3A_329 = arith.constant 0 : i32
      %dma_wait3A_330 = tpu.memref_slice %arg4[%add3A_326, %dma_wait3A_329] : memref<819200x32xf32, #tpu.memory_space<hbm>> -> memref<640x32xf32, #tpu.memory_space<hbm>>
      tpu.wait_dma2 semaphore(%arg15 : memref<!tpu.dma_semaphore, #tpu.memory_space<semaphore_mem>>) src(%arg7 : memref<640x32xf32, #tpu.memory_space<vmem>>) dst(%dma_wait3A_330 : memref<640x32xf32, #tpu.memory_space<hbm>>)
      %add3A_331 = arith.constant 2 : i32
      %add3A_332 = arith.addi %add3A_321, %add3A_331 : i32
      %dma_start3A_333 = arith.constant 0 : i32
      %dma_start3A_334 = tpu.memref_slice %arg5[%add3A_332, %dma_start3A_333] : memref<40x640xi32, #tpu.memory_space<vmem>> -> memref<1x640xi32, #tpu.memory_space<vmem>>
      %dma_start3A_335 = tpu.memref_squeeze %dma_start3A_334 : memref<1x640xi32, #tpu.memory_space<vmem>> -> memref<640xi32, #tpu.memory_space<vmem>>
      %dma_start3A_336 = arith.constant 0 : i32
      %dma_start3A_337 = arith.constant 0 : i32
      %dma_start3A_338 = tpu.memref_slice %arg2[%dma_start3A_336, %dma_start3A_337] : memref<1000000x32xf32, #tpu.memory_space<hbm>> -> memref<1000000x32xf32, #tpu.memory_space<hbm>>
      tpu.enqueue_indirect_dma source(%dma_start3A_338 : memref<1000000x32xf32, #tpu.memory_space<hbm>>) target(%arg7 : memref<640x32xf32, #tpu.memory_space<vmem>>) offsets(%dma_start3A_335 : memref<640xi32, #tpu.memory_space<vmem>>) semaphore(%arg11 : memref<!tpu.dma_semaphore, #tpu.memory_space<semaphore_mem>>)
      %dma_wait3A_339 = arith.constant 0 : i32
      %dma_wait3A_340 = tpu.memref_slice %arg5[%add3A_321, %dma_wait3A_339] : memref<40x640xi32, #tpu.memory_space<vmem>> -> memref<1x640xi32, #tpu.memory_space<vmem>>
      %dma_wait3A_341 = tpu.memref_squeeze %dma_wait3A_340 : memref<1x640xi32, #tpu.memory_space<vmem>> -> memref<640xi32, #tpu.memory_space<vmem>>
      %dma_wait3A_342 = arith.constant 0 : i32
      %dma_wait3A_343 = arith.constant 0 : i32
      %dma_wait3A_344 = tpu.memref_slice %arg2[%dma_wait3A_342, %dma_wait3A_343] : memref<1000000x32xf32, #tpu.memory_space<hbm>> -> memref<1000000x32xf32, #tpu.memory_space<hbm>>
      tpu.wait_indirect_dma semaphore(%arg13 : memref<!tpu.dma_semaphore, #tpu.memory_space<semaphore_mem>>) src(%dma_wait3A_344 : memref<1000000x32xf32, #tpu.memory_space<hbm>>) dst(%arg9 : memref<640x32xf32, #tpu.memory_space<vmem>>)
      %mul3A_345 = arith.constant 640 : i32
      %mul3A_346 = arith.muli %add3A_321, %mul3A_345 : i32
      %add3A_347 = arith.addi %mul3A_2, %mul3A_346 : i32
      %dma_start3A_348 = arith.constant 0 : i32
      %dma_start3A_349 = tpu.memref_slice %arg4[%add3A_347, %dma_start3A_348] : memref<819200x32xf32, #tpu.memory_space<hbm>> -> memref<640x32xf32, #tpu.memory_space<hbm>>
      %dma_start3A_350 = arith.constant 0 : i32
      %dma_start3A_351 = tpu.memref_slice %arg4[%add3A_347, %dma_start3A_350] : memref<819200x32xf32, #tpu.memory_space<hbm>> -> memref<640x32xf32, #tpu.memory_space<hbm>>
      tpu.enqueue_dma source(%arg9 : memref<640x32xf32, #tpu.memory_space<vmem>>) target(%dma_start3A_351 : memref<640x32xf32, #tpu.memory_space<hbm>>) target_semaphore(%arg17 : memref<!tpu.dma_semaphore, #tpu.memory_space<semaphore_mem>>)
    }
    %scan3A_113 = arith.constant 8 : i32
    %add3A_114 = arith.constant 21760 : i32
    %add3A_115 = arith.addi %mul3A_2, %add3A_114 : i32
    %dma_wait3A_116 = arith.constant 0 : i32
    %dma_wait3A_117 = tpu.memref_slice %arg4[%add3A_115, %dma_wait3A_116] : memref<819200x32xf32, #tpu.memory_space<hbm>> -> memref<640x32xf32, #tpu.memory_space<hbm>>
    %dma_wait3A_118 = arith.constant 0 : i32
    %dma_wait3A_119 = tpu.memref_slice %arg4[%add3A_115, %dma_wait3A_118] : memref<819200x32xf32, #tpu.memory_space<hbm>> -> memref<640x32xf32, #tpu.memory_space<hbm>>
    tpu.wait_dma2 semaphore(%arg16 : memref<!tpu.dma_semaphore, #tpu.memory_space<semaphore_mem>>) src(%arg8 : memref<640x32xf32, #tpu.memory_space<vmem>>) dst(%dma_wait3A_119 : memref<640x32xf32, #tpu.memory_space<hbm>>)
    %dma_start3A_120 = arith.constant 38 : i32
    %dma_start3A_121 = arith.constant 0 : i32
    %dma_start3A_122 = tpu.memref_slice %arg5[%dma_start3A_120, %dma_start3A_121] : memref<40x640xi32, #tpu.memory_space<vmem>> -> memref<1x640xi32, #tpu.memory_space<vmem>>
    %dma_start3A_123 = tpu.memref_squeeze %dma_start3A_122 : memref<1x640xi32, #tpu.memory_space<vmem>> -> memref<640xi32, #tpu.memory_space<vmem>>
    %dma_start3A_124 = arith.constant 0 : i32
    %dma_start3A_125 = arith.constant 0 : i32
    %dma_start3A_126 = tpu.memref_slice %arg2[%dma_start3A_124, %dma_start3A_125] : memref<1000000x32xf32, #tpu.memory_space<hbm>> -> memref<1000000x32xf32, #tpu.memory_space<hbm>>
    tpu.enqueue_indirect_dma source(%dma_start3A_126 : memref<1000000x32xf32, #tpu.memory_space<hbm>>) target(%arg8 : memref<640x32xf32, #tpu.memory_space<vmem>>) offsets(%dma_start3A_123 : memref<640xi32, #tpu.memory_space<vmem>>) semaphore(%arg12 : memref<!tpu.dma_semaphore, #tpu.memory_space<semaphore_mem>>)
    %dma_wait3A_127 = arith.constant 36 : i32
    %dma_wait3A_128 = arith.constant 0 : i32
    %dma_wait3A_129 = tpu.memref_slice %arg5[%dma_wait3A_127, %dma_wait3A_128] : memref<40x640xi32, #tpu.memory_space<vmem>> -> memref<1x640xi32, #tpu.memory_space<vmem>>
    %dma_wait3A_130 = tpu.memref_squeeze %dma_wait3A_129 : memref<1x640xi32, #tpu.memory_space<vmem>> -> memref<640xi32, #tpu.memory_space<vmem>>
    %dma_wait3A_131 = arith.constant 0 : i32
    %dma_wait3A_132 = arith.constant 0 : i32
    %dma_wait3A_133 = tpu.memref_slice %arg2[%dma_wait3A_131, %dma_wait3A_132] : memref<1000000x32xf32, #tpu.memory_space<hbm>> -> memref<1000000x32xf32, #tpu.memory_space<hbm>>
    tpu.wait_indirect_dma semaphore(%arg10 : memref<!tpu.dma_semaphore, #tpu.memory_space<semaphore_mem>>) src(%dma_wait3A_133 : memref<1000000x32xf32, #tpu.memory_space<hbm>>) dst(%arg6 : memref<640x32xf32, #tpu.memory_space<vmem>>)
    %add3A_134 = arith.constant 23040 : i32
    %add3A_135 = arith.addi %mul3A_2, %add3A_134 : i32
    %dma_start3A_136 = arith.constant 0 : i32
    %dma_start3A_137 = tpu.memref_slice %arg4[%add3A_135, %dma_start3A_136] : memref<819200x32xf32, #tpu.memory_space<hbm>> -> memref<640x32xf32, #tpu.memory_space<hbm>>
    %dma_start3A_138 = arith.constant 0 : i32
    %dma_start3A_139 = tpu.memref_slice %arg4[%add3A_135, %dma_start3A_138] : memref<819200x32xf32, #tpu.memory_space<hbm>> -> memref<640x32xf32, #tpu.memory_space<hbm>>
    tpu.enqueue_dma source(%arg6 : memref<640x32xf32, #tpu.memory_space<vmem>>) target(%dma_start3A_139 : memref<640x32xf32, #tpu.memory_space<hbm>>) target_semaphore(%arg14 : memref<!tpu.dma_semaphore, #tpu.memory_space<semaphore_mem>>)
    %add3A_140 = arith.constant 22400 : i32
    %add3A_141 = arith.addi %mul3A_2, %add3A_140 : i32
    %dma_wait3A_142 = arith.constant 0 : i32
    %dma_wait3A_143 = tpu.memref_slice %arg4[%add3A_141, %dma_wait3A_142] : memref<819200x32xf32, #tpu.memory_space<hbm>> -> memref<640x32xf32, #tpu.memory_space<hbm>>
    %dma_wait3A_144 = arith.constant 0 : i32
    %dma_wait3A_145 = tpu.memref_slice %arg4[%add3A_141, %dma_wait3A_144] : memref<819200x32xf32, #tpu.memory_space<hbm>> -> memref<640x32xf32, #tpu.memory_space<hbm>>
    tpu.wait_dma2 semaphore(%arg17 : memref<!tpu.dma_semaphore, #tpu.memory_space<semaphore_mem>>) src(%arg9 : memref<640x32xf32, #tpu.memory_space<vmem>>) dst(%dma_wait3A_145 : memref<640x32xf32, #tpu.memory_space<hbm>>)
    %dma_start3A_146 = arith.constant 39 : i32
    %dma_start3A_147 = arith.constant 0 : i32
    %dma_start3A_148 = tpu.memref_slice %arg5[%dma_start3A_146, %dma_start3A_147] : memref<40x640xi32, #tpu.memory_space<vmem>> -> memref<1x640xi32, #tpu.memory_space<vmem>>
    %dma_start3A_149 = tpu.memref_squeeze %dma_start3A_148 : memref<1x640xi32, #tpu.memory_space<vmem>> -> memref<640xi32, #tpu.memory_space<vmem>>
    %dma_start3A_150 = arith.constant 0 : i32
    %dma_start3A_151 = arith.constant 0 : i32
    %dma_start3A_152 = tpu.memref_slice %arg2[%dma_start3A_150, %dma_start3A_151] : memref<1000000x32xf32, #tpu.memory_space<hbm>> -> memref<1000000x32xf32, #tpu.memory_space<hbm>>
    tpu.enqueue_indirect_dma source(%dma_start3A_152 : memref<1000000x32xf32, #tpu.memory_space<hbm>>) target(%arg9 : memref<640x32xf32, #tpu.memory_space<vmem>>) offsets(%dma_start3A_149 : memref<640xi32, #tpu.memory_space<vmem>>) semaphore(%arg13 : memref<!tpu.dma_semaphore, #tpu.memory_space<semaphore_mem>>)
    %dma_wait3A_153 = arith.constant 37 : i32
    %dma_wait3A_154 = arith.constant 0 : i32
    %dma_wait3A_155 = tpu.memref_slice %arg5[%dma_wait3A_153, %dma_wait3A_154] : memref<40x640xi32, #tpu.memory_space<vmem>> -> memref<1x640xi32, #tpu.memory_space<vmem>>
    %dma_wait3A_156 = tpu.memref_squeeze %dma_wait3A_155 : memref<1x640xi32, #tpu.memory_space<vmem>> -> memref<640xi32, #tpu.memory_space<vmem>>
    %dma_wait3A_157 = arith.constant 0 : i32
    %dma_wait3A_158 = arith.constant 0 : i32
    %dma_wait3A_159 = tpu.memref_slice %arg2[%dma_wait3A_157, %dma_wait3A_158] : memref<1000000x32xf32, #tpu.memory_space<hbm>> -> memref<1000000x32xf32, #tpu.memory_space<hbm>>
    tpu.wait_indirect_dma semaphore(%arg11 : memref<!tpu.dma_semaphore, #tpu.memory_space<semaphore_mem>>) src(%dma_wait3A_159 : memref<1000000x32xf32, #tpu.memory_space<hbm>>) dst(%arg7 : memref<640x32xf32, #tpu.memory_space<vmem>>)
    %add3A_160 = arith.constant 23680 : i32
    %add3A_161 = arith.addi %mul3A_2, %add3A_160 : i32
    %dma_start3A_162 = arith.constant 0 : i32
    %dma_start3A_163 = tpu.memref_slice %arg4[%add3A_161, %dma_start3A_162] : memref<819200x32xf32, #tpu.memory_space<hbm>> -> memref<640x32xf32, #tpu.memory_space<hbm>>
    %dma_start3A_164 = arith.constant 0 : i32
    %dma_start3A_165 = tpu.memref_slice %arg4[%add3A_161, %dma_start3A_164] : memref<819200x32xf32, #tpu.memory_space<hbm>> -> memref<640x32xf32, #tpu.memory_space<hbm>>
    tpu.enqueue_dma source(%arg7 : memref<640x32xf32, #tpu.memory_space<vmem>>) target(%dma_start3A_165 : memref<640x32xf32, #tpu.memory_space<hbm>>) target_semaphore(%arg15 : memref<!tpu.dma_semaphore, #tpu.memory_space<semaphore_mem>>)
    %dma_wait3A_166 = arith.constant 38 : i32
    %dma_wait3A_167 = arith.constant 0 : i32
    %dma_wait3A_168 = tpu.memref_slice %arg5[%dma_wait3A_166, %dma_wait3A_167] : memref<40x640xi32, #tpu.memory_space<vmem>> -> memref<1x640xi32, #tpu.memory_space<vmem>>
    %dma_wait3A_169 = tpu.memref_squeeze %dma_wait3A_168 : memref<1x640xi32, #tpu.memory_space<vmem>> -> memref<640xi32, #tpu.memory_space<vmem>>
    %dma_wait3A_170 = arith.constant 0 : i32
    %dma_wait3A_171 = arith.constant 0 : i32
    %dma_wait3A_172 = tpu.memref_slice %arg2[%dma_wait3A_170, %dma_wait3A_171] : memref<1000000x32xf32, #tpu.memory_space<hbm>> -> memref<1000000x32xf32, #tpu.memory_space<hbm>>
    tpu.wait_indirect_dma semaphore(%arg12 : memref<!tpu.dma_semaphore, #tpu.memory_space<semaphore_mem>>) src(%dma_wait3A_172 : memref<1000000x32xf32, #tpu.memory_space<hbm>>) dst(%arg8 : memref<640x32xf32, #tpu.memory_space<vmem>>)
    %add3A_173 = arith.constant 24320 : i32
    %add3A_174 = arith.addi %mul3A_2, %add3A_173 : i32
    %dma_start3A_175 = arith.constant 0 : i32
    %dma_start3A_176 = tpu.memref_slice %arg4[%add3A_174, %dma_start3A_175] : memref<819200x32xf32, #tpu.memory_space<hbm>> -> memref<640x32xf32, #tpu.memory_space<hbm>>
    %dma_start3A_177 = arith.constant 0 : i32
    %dma_start3A_178 = tpu.memref_slice %arg4[%add3A_174, %dma_start3A_177] : memref<819200x32xf32, #tpu.memory_space<hbm>> -> memref<640x32xf32, #tpu.memory_space<hbm>>
    tpu.enqueue_dma source(%arg8 : memref<640x32xf32, #tpu.memory_space<vmem>>) target(%dma_start3A_178 : memref<640x32xf32, #tpu.memory_space<hbm>>) target_semaphore(%arg16 : memref<!tpu.dma_semaphore, #tpu.memory_space<semaphore_mem>>)
    %dma_wait3A_179 = arith.constant 39 : i32
    %dma_wait3A_180 = arith.constant 0 : i32
    %dma_wait3A_181 = tpu.memref_slice %arg5[%dma_wait3A_179, %dma_wait3A_180] : memref<40x640xi32, #tpu.memory_space<vmem>> -> memref<1x640xi32, #tpu.memory_space<vmem>>
    %dma_wait3A_182 = tpu.memref_squeeze %dma_wait3A_181 : memref<1x640xi32, #tpu.memory_space<vmem>> -> memref<640xi32, #tpu.memory_space<vmem>>
    %dma_wait3A_183 = arith.constant 0 : i32
    %dma_wait3A_184 = arith.constant 0 : i32
    %dma_wait3A_185 = tpu.memref_slice %arg2[%dma_wait3A_183, %dma_wait3A_184] : memref<1000000x32xf32, #tpu.memory_space<hbm>> -> memref<1000000x32xf32, #tpu.memory_space<hbm>>
    tpu.wait_indirect_dma semaphore(%arg13 : memref<!tpu.dma_semaphore, #tpu.memory_space<semaphore_mem>>) src(%dma_wait3A_185 : memref<1000000x32xf32, #tpu.memory_space<hbm>>) dst(%arg9 : memref<640x32xf32, #tpu.memory_space<vmem>>)
    %add3A_186 = arith.constant 24960 : i32
    %add3A_187 = arith.addi %mul3A_2, %add3A_186 : i32
    %dma_start3A_188 = arith.constant 0 : i32
    %dma_start3A_189 = tpu.memref_slice %arg4[%add3A_187, %dma_start3A_188] : memref<819200x32xf32, #tpu.memory_space<hbm>> -> memref<640x32xf32, #tpu.memory_space<hbm>>
    %dma_start3A_190 = arith.constant 0 : i32
    %dma_start3A_191 = tpu.memref_slice %arg4[%add3A_187, %dma_start3A_190] : memref<819200x32xf32, #tpu.memory_space<hbm>> -> memref<640x32xf32, #tpu.memory_space<hbm>>
    tpu.enqueue_dma source(%arg9 : memref<640x32xf32, #tpu.memory_space<vmem>>) target(%dma_start3A_191 : memref<640x32xf32, #tpu.memory_space<hbm>>) target_semaphore(%arg17 : memref<!tpu.dma_semaphore, #tpu.memory_space<semaphore_mem>>)
    %add3A_192 = arith.constant 23040 : i32
    %add3A_193 = arith.addi %mul3A_2, %add3A_192 : i32
    %dma_wait3A_194 = arith.constant 0 : i32
    %dma_wait3A_195 = tpu.memref_slice %arg4[%add3A_193, %dma_wait3A_194] : memref<819200x32xf32, #tpu.memory_space<hbm>> -> memref<640x32xf32, #tpu.memory_space<hbm>>
    %dma_wait3A_196 = arith.constant 0 : i32
    %dma_wait3A_197 = tpu.memref_slice %arg4[%add3A_193, %dma_wait3A_196] : memref<819200x32xf32, #tpu.memory_space<hbm>> -> memref<640x32xf32, #tpu.memory_space<hbm>>
    tpu.wait_dma2 semaphore(%arg14 : memref<!tpu.dma_semaphore, #tpu.memory_space<semaphore_mem>>) src(%arg6 : memref<640x32xf32, #tpu.memory_space<vmem>>) dst(%dma_wait3A_197 : memref<640x32xf32, #tpu.memory_space<hbm>>)
    %add3A_198 = arith.constant 23680 : i32
    %add3A_199 = arith.addi %mul3A_2, %add3A_198 : i32
    %dma_wait3A_200 = arith.constant 0 : i32
    %dma_wait3A_201 = tpu.memref_slice %arg4[%add3A_199, %dma_wait3A_200] : memref<819200x32xf32, #tpu.memory_space<hbm>> -> memref<640x32xf32, #tpu.memory_space<hbm>>
    %dma_wait3A_202 = arith.constant 0 : i32
    %dma_wait3A_203 = tpu.memref_slice %arg4[%add3A_199, %dma_wait3A_202] : memref<819200x32xf32, #tpu.memory_space<hbm>> -> memref<640x32xf32, #tpu.memory_space<hbm>>
    tpu.wait_dma2 semaphore(%arg15 : memref<!tpu.dma_semaphore, #tpu.memory_space<semaphore_mem>>) src(%arg7 : memref<640x32xf32, #tpu.memory_space<vmem>>) dst(%dma_wait3A_203 : memref<640x32xf32, #tpu.memory_space<hbm>>)
    %add3A_204 = arith.constant 24320 : i32
    %add3A_205 = arith.addi %mul3A_2, %add3A_204 : i32
    %dma_wait3A_206 = arith.constant 0 : i32
    %dma_wait3A_207 = tpu.memref_slice %arg4[%add3A_205, %dma_wait3A_206] : memref<819200x32xf32, #tpu.memory_space<hbm>> -> memref<640x32xf32, #tpu.memory_space<hbm>>
    %dma_wait3A_208 = arith.constant 0 : i32
    %dma_wait3A_209 = tpu.memref_slice %arg4[%add3A_205, %dma_wait3A_208] : memref<819200x32xf32, #tpu.memory_space<hbm>> -> memref<640x32xf32, #tpu.memory_space<hbm>>
    tpu.wait_dma2 semaphore(%arg16 : memref<!tpu.dma_semaphore, #tpu.memory_space<semaphore_mem>>) src(%arg8 : memref<640x32xf32, #tpu.memory_space<vmem>>) dst(%dma_wait3A_209 : memref<640x32xf32, #tpu.memory_space<hbm>>)
    %add3A_210 = arith.constant 24960 : i32
    %add3A_211 = arith.addi %mul3A_2, %add3A_210 : i32
    %dma_wait3A_212 = arith.constant 0 : i32
    %dma_wait3A_213 = tpu.memref_slice %arg4[%add3A_211, %dma_wait3A_212] : memref<819200x32xf32, #tpu.memory_space<hbm>> -> memref<640x32xf32, #tpu.memory_space<hbm>>
    %dma_wait3A_214 = arith.constant 0 : i32
    %dma_wait3A_215 = tpu.memref_slice %arg4[%add3A_211, %dma_wait3A_214] : memref<819200x32xf32, #tpu.memory_space<hbm>> -> memref<640x32xf32, #tpu.memory_space<hbm>>
    tpu.wait_dma2 semaphore(%arg17 : memref<!tpu.dma_semaphore, #tpu.memory_space<semaphore_mem>>) src(%arg9 : memref<640x32xf32, #tpu.memory_space<vmem>>) dst(%dma_wait3A_215 : memref<640x32xf32, #tpu.memory_space<hbm>>)
    return
  }
}

</mosaic_0001>

<sc_bundles>
// kernel: kernel.3.cloned.1.call-start
scs
__scs_entry_jumppad:
0x0: {  	(pc) =	sbr.rel $0x88, $3  }
0x1: {  	(tag) =	ssettag $0x0;
	lr =	simm.s32 $0x1  }
0x2: {  	[smem:$0x3F9F] =	sst lr;
	_ =	strace $0xD0000000  }
0x3: {  	_ = 	snop  }
0x4: {  	_ = 	snop  }
0x5: {  	_ = 	snop  }
0x6: {  	_ = 	snop  }
0x7: {  	_ = 	snop  }
__scs_overlays_trampoline_lowered:
0x8: {  	[smem:$0x3FAE] =	sst s0  }
0x9: {  	[smem:$0x3FAF] =	sst s1  }
0xa: {  	[smem:$0x3FB0] =	sst s2  }
0xb: {  	[smem:$0x3FB1] =	sst s3  }
0xc: {  	[smem:$0x3FB2] =	sst s4  }
0xd: {  	[smem:$0x3FB3] =	sst s5  }
0xe: {  	[smem:$0x3FB4] =	sst s6  }
0xf: {  	[smem:$0x3FB5] =	sst s7  }
0x10: {  	[smem:$0x3FB6] =	sst s8  }
0x11: {  	[smem:$0x3FB7] =	sst s9;
	s0 =	simm.s32 @!p0 $0x0  }
0x12: {  	s1 =	sld [smem:$0x3F9D];
	s0 =	simm.s32 @p0 $0x1  }
0x13: {  	[smem:$0x3FB8] =	sst s0;
	s0 =	simm.s32 @!p1 $0x0  }
0x14: {  	s2 =	sld [smem:$0x3F9C];
	s0 =	simm.s32 @p1 $0x1  }
0x15: {  	[smem:$0x3FB9] =	sst s0;
	s0 =	simm.s32 @!p2 $0x0  }
0x16: {  	s3 =	sld [smem:$0x3FDB];
	s0 =	simm.s32 @p2 $0x1  }
0x17: {  	s4 =	simm.s32 $0x1BF5;
	[smem:$0x3FBB] =	sst s0  }
0x18: {  	s0 =	sld [smem:$0x3F9E];
	_ =	swait.ge [sflag:s4], $0x0  }
0x19: {  	s7 =	sld [smem:$0x3F9F]  }
0x1a: {  	s8 =	sadd.s32 $0xFFFFE003, lr  }
0x1b: {  	s9 =	sadd.s32 $0xFFFFFEF7, lr;
	s5 =	simm.s32 $0xFFFFFFFF;
	p2 =	slt.u32 s8, $0xFFFFF086  }
0x1c: {  	p1 =	slt.u32 s9, $0xF7A;
	s5 =	simm.s32 @!p2 $0x0  }
0x1d: {  	s5 =	simm.s32 @p1 $0x1;
	p0 =	seq.s32 s7, s2  }
0x1e: {  	s7 =	smul.u32 @!p0 $0xF7A, s2;
	p2 =	seq.s32 @!p0 s5, $0x0  }
0x1f: {  	s9 =	smul.u32 $0xF7A, s1;
	s8 =	simm.s32 @!p0 $0x1BF5;
	p2 =	por !p2, p0  }
0x20: {  	[sflag:s8] =	ssyncset.s32 @!p0 $0xFFFFF086;
	s6 =	sadd.s32 @!p0 s3, s7;
	s7 =	simm.s32 @!p0 $0x108  }
0x21: {  	s3 =	sadd.s32 s3, s9;
	s6 =	sadd.s32 @!p0 $0x88, s6;
	s7 =	simm.s32 @p2 $0x1082  }
0x22: {  	[simem:s7], [sflag:s8] =	dma.local @!p0 [hbm:s6], $0xF7A  }
0x23: {  	s9 =	sor.u32 $0xD0000000, s2;
	s6 =	simm.s32 $0x108;
	_ =	swait.ge @!p0 [sflag:s8], $0x0  }
0x24: {  	s3 =	sadd.s32 $0x88, s3;
	s6 =	simm.s32 @!p1 $0x1082;
	[sflag:s4] =	ssyncset.s32 $0xFFFFF086  }
0x25: {  	[simem:s6], [sflag:s4] =	dma.local [hbm:s3], $0xF7A  }
0x26: {  	[smem:$0x3F9F] =	sst s1;
	(tag) =	ssettag s2;
	_ =	strace s9  }
0x27: {  	s1 =	sld [smem:$0x3FAF]  }
0x28: {  	s2 =	sld [smem:$0x3FB0]  }
0x29: {  	s4 =	sld [smem:$0x3FB2]  }
0x2a: {  	p0 =	seq.s32 s5, $0x0;
	s5 =	sld [smem:$0x3FB3]  }
0x2b: {  	s6 =	sld [smem:$0x3FB4]  }
0x2c: {  	s7 =	sld [smem:$0x3FB5]  }
0x2d: {  	s3 =	simm.s32 $0x108;
	s8 =	sld [smem:$0x3FB6]  }
0x2e: {  	s3 =	simm.s32 @!p0 $0x1082;
	s9 =	sld [smem:$0x3FB7]  }
0x2f: {  	lr =	sadd.s32 s0, s3;
	s0 =	sld [smem:$0x3FAE]  }
0x30: {  	s3 =	sld [smem:$0x3FB1]  }
0x31: {  	[smem:$0x3FBA] =	sst s10  }
0x32: {  	s10 =	sld [smem:$0x3FB8];
	_ =	sdelay $0x3  }
0x33: {  	p0 =	seq.s32 s10, $0x1;
	s10 =	sld [smem:$0x3FBA];
	_ =	sdelay $0x3  }
0x34: {  	[smem:$0x3FBA] =	sst s10  }
0x35: {  	s10 =	sld [smem:$0x3FB9];
	_ =	sdelay $0x3  }
0x36: {  	p1 =	seq.s32 s10, $0x1;
	s10 =	sld [smem:$0x3FBA];
	_ =	sdelay $0x3  }
0x37: {  	[smem:$0x3FBA] =	sst s10  }
0x38: {  	s10 =	sld [smem:$0x3FBB]  }
0x39: {  	_ = 	snop;
	(pc) =	sbr.ind lr, $3  }
0x3a: {  	_ = 	snop  }
0x3b: {  	_ = 	snop  }
0x3c: {  	p2 =	seq.s32 s10, $0x1;
	s10 =	sld [smem:$0x3FBA]  }
0x3d: {  	_ =	shalt  }
0x3e: {  	_ =	shalt  }
0x3f: {  	_ =	shalt  }
0x40: {  	_ =	shalt  }
0x41: {  	_ =	shalt  }
0x42: {  	_ =	shalt  }
0x43: {  	_ =	shalt  }
0x44: {  	_ =	shalt  }
0x45: {  	_ =	shalt  }
0x46: {  	_ =	shalt  }
0x47: {  	_ =	shalt  }
0x48: {  	_ =	shalt  }
0x49: {  	_ =	shalt  }
0x4a: {  	_ =	shalt  }
0x4b: {  	_ =	shalt  }
0x4c: {  	_ =	shalt  }
0x4d: {  	_ =	shalt  }
0x4e: {  	_ =	shalt  }
0x4f: {  	_ =	shalt  }
0x50: {  	_ =	shalt  }
0x51: {  	_ =	shalt  }
0x52: {  	_ =	shalt  }
0x53: {  	_ =	shalt  }
0x54: {  	_ =	shalt  }
0x55: {  	_ =	shalt  }
0x56: {  	_ =	shalt  }
0x57: {  	_ =	shalt  }
0x58: {  	_ =	shalt  }
0x59: {  	_ =	shalt  }
0x5a: {  	_ =	shalt  }
0x5b: {  	_ =	shalt  }
0x5c: {  	_ =	shalt  }
0x5d: {  	_ =	shalt  }
0x5e: {  	_ =	shalt  }
0x5f: {  	_ =	shalt  }
0x60: {  	_ =	shalt  }
0x61: {  	_ =	shalt  }
0x62: {  	_ =	shalt  }
0x63: {  	_ =	shalt  }
0x64: {  	_ =	shalt  }
0x65: {  	_ =	shalt  }
0x66: {  	_ =	shalt  }
0x67: {  	_ =	shalt  }
0x68: {  	_ =	shalt  }
0x69: {  	_ =	shalt  }
0x6a: {  	_ =	shalt  }
0x6b: {  	_ =	shalt  }
0x6c: {  	_ =	shalt  }
0x6d: {  	_ =	shalt  }
0x6e: {  	_ =	shalt  }
0x6f: {  	_ =	shalt  }
0x70: {  	_ =	shalt  }
0x71: {  	_ =	shalt  }
0x72: {  	_ =	shalt  }
0x73: {  	_ =	shalt  }
0x74: {  	_ =	shalt  }
0x75: {  	_ =	shalt  }
0x76: {  	_ =	shalt  }
0x77: {  	_ =	shalt  }
0x78: {  	_ =	shalt  }
0x79: {  	_ =	shalt  }
0x7a: {  	_ =	shalt  }
0x7b: {  	_ =	shalt  }
0x7c: {  	_ =	shalt  }
0x7d: {  	_ =	shalt  }
0x7e: {  	_ =	shalt  }
0x7f: {  	_ =	shalt  }
0x80: {  	_ =	shalt  }
0x81: {  	_ =	shalt  }
0x82: {  	_ =	shalt  }
0x83: {  	_ =	shalt  }
0x84: {  	_ =	shalt  }
0x85: {  	_ =	shalt  }
0x86: {  	_ =	shalt  }
0x87: {  	_ =	shalt  }
.Lfunc_end0:
.L_simem_size_0:
called_computation.1_lowered:
.L_overlay_start_0:
0x88: {  	s2 =	sld [smem:$0x3FD9]  }
0x89: {  	s3 =	sld [smem:$0x3FFE];
	_ =	sdelay $0x1  }
0x8a: {  	s1 =	srdreg.scid  }
0x8b: {  	s0 =	sand.u32 $0x1, s1  }
0x8c: {  	s17 =	sshll.u32 s0, $0xA;
	s2 =	sadd.s32 s3, s2  }
0x8d: {  	s2 =	sadd.s32 s2, s17  }
0x8e: {  	[smem:$0x3FC6] =	sst s2  }
0x8f: {  	_ = 	snop  }
0x90: {  	s2 =	sld [smem:$0x3FD0];
	(tm) =	ssettm $0x1  }
0x91: {  	s18 =	sld [smem:$0x3FFB];
	_ =	sdelay $0x3  }
0x92: {  	_ =	strace s18  }
0x93: {  	s3 =	sld [smem:$0x3FFC];
	_ =	sdelay $0x3  }
0x94: {  	_ =	strace s3  }
0x95: {  	s3 =	sld [smem:$0x3FFD];
	_ =	sdelay $0x3  }
0x96: {  	_ =	strace s3  }
0x97: {  	_ =	strace $0x8FFFFFFF  }
0x98: {  	s19 =	sld [smem:$0x3FDB];
	_ =	sdelay $0x1  }
0x99: {  	s4 =	simm.s32 $_scs_section_size  }
0x9a: {  	s5 =	simm.s32 $_size__tile_overlayer_lowered;
	s6 =	simm.s32 $_tile_overlayer_lowered  }
0x9b: {  	s22 =	simm.s32 $0x1BFF;
	s21 =	sshll.u32 s6, $0x1;
	s3 =	sadd.s32 s4, s19  }
0x9c: {  	s7 =	simm.s32 $0x0;
	s20 =	sshll.u32 s5, $0x1;
	s5 =	sadd.s32 s21, s3  }
0x9d: {  	[timem:s7], [sflag:s22] =	dma.local [hbm:s5], s20  }
0x9e: {  	_ =	swait.ge [sflag:s22], s20  }
0x9f: {  	s4 =	ssub.s32 $0x0, s20;
	[sflag:s22] =	ssyncset.done $0x0  }
0xa0: {  	[sflag:s22] =	ssyncadd.s32 s4;
	_ =	sdelay $0x1  }
0xa1: {  	s23 =	simm.s32 $0x1B8B  }
0xa2: {  	_ =	swait.ge [sflag:s23], $0x1  }
0xa3: {  	[sflag:s23] =	ssyncset.done $0x0  }
0xa4: {  	s25 =	simm.s32 $0x1B8E;
	s24 =	sld [smem:$0x3FFE];
	[sflag:s23] =	ssyncadd.s32 $0xFFFFFFFF  }
0xa5: {  	s26 =	simm.s32 $execute0_lowered;
	[smem:$0x3FD2] =	sst s25  }
0xa6: {  	s5 =	sshll.u32 s26, $0x1;
	_ =	strace $0x80000046;
	[dreg:$0x1] =	wrdreg $0xFFFFFFFF  }
0xa7: {  	s28 =	simm.s32 $_size_execute0_lowered;
	s3 =	sadd.s32 s3, s5;
	[dreg:$0x0] =	wrdreg $0x0  }
0xa8: {  	s5 =	sshll.u32 s28, $0x1;
	[dreg:$0x2] =	wrdreg s3  }
0xa9: {  	[dreg:$0x3] =	wrdreg s5  }
0xaa: {  	[dreg:$0x4] =	wrdreg $0xC0  }
0xab: {  	_ =	task [dreg:s7], $0x5FFFF  }
0xac: {  	[dreg:$0x1] =	wrdreg $0xFFFFFFFF  }
0xad: {  	[dreg:$0x0] =	wrdreg $0x60  }
0xae: {  	[dreg:$0x2] =	wrdreg s24  }
0xaf: {  	[dreg:$0x3] =	wrdreg s2  }
0xb0: {  	[dreg:$0x4] =	wrdreg $0x9  }
0xb1: {  	_ =	task.clear_ibuf [dreg:s7], $0x5FFFF;
	_ =	strace $0x90000046  }
0xb2: {  	s29 =	simm.s32 $0x9;
	_ =	strace $0x80000048  }
0xb3: {  	_ =	swait.ge [sflag:s29], $0x1  }
0xb4: {  	[sflag:s29] =	ssyncadd.s32 $0xFFFFFFFF  }
0xb5: {  	_ =	strace $0x90000048  }
0xb6: {  	_ =	sfence  }
0xb7: {  	s30 =	sld [smem:$0x0];
	_ =	sdelay $0x2  }
0xb8: {  	s31 =	sshll.u32 s1, $0xD;
	s1 =	sshrl.u32 s1, $0x2  }
0xb9: {  	s3 =	sand.u32 $0x4000, s31;
	s1 =	sadd.s32 s1, s30  }
0xba: {  	s0 =	sor.u32 s3, s0;
	s1 =	sshll.u32 s1, $0x11  }
0xbb: {  	s0 =	sor.u32 s1, s0  }
0xbc: {  	s0 =	sadd.s32 $0x8F2B, s0  }
0xbd: {  	[sflag:s0] =	ssyncadd.remote.s32 $0x1  }
0xbe: {  	_ =	sfence.sel $0xFFFF  }
0xbf: {  	[dreg:$0x0] =	wrdreg $0xFFFFFFFF;
	(pc) =	sbr.abs _section_cstart, $3  }
0xc0: {  	[dreg:$0x1] =	wrdreg $0xFFFFFFFF  }
0xc1: {  	_ =	task.clear_ibuf [dreg:s7], $0x2FFFF;
	_ =	strace $0x9FFFFFFF  }
0xc2: {  	(tm) =	ssettm $0x7FFFFFFF  }
0xc3: {  	_ =	shalt  }
tec
execute0_lowered:
.L_overlay_start_1:
0x0: {  	(tag) =	ssettag $0x1  }
0x1: {  	s0 =	rddreg [dreg:$0x0];
	s1 =	srdreg.scid  }
0x2: {  	s9 =	stileid.u32;
	s4 =	rddreg [dreg:$0x1]  }
0x3: {  	s2 =	simm.s32 $0x0;
	s18 =	simm.s32 $0x9;
	s19 =	simm.s32 $0x280  }
0x4: {  	s20 =	simm.s32 $0x6400;
	s21 =	simm.s32 $0xB400;
	s28 =	simm.s32 $0x2  }
0x5: {  	s1 =	sand.u32 $0x1, s1;
	s3 =	sshll.u32 s9, $0x1;
	s9 =	smul.u32 $0xC800, s9  }
0x6: {  	s5 =	sor.u32 s1, s3;
	s8 =	ssub.s32 $0x2, s1;
	s1 =	smul.u32 $0x6400, s1  }
0x7: {  	s29 =	simm.s32 $0x5;
	[smem:$0x7FF] =	sst s2;
	s6 =	smul.u32 $0xC80, s5  }
0x8: {  	s31 =	simm.s32 $0x3;
	_ =	strace $0x80000047;
	s7 =	smul.u32 $0x19000, s5  }
0x9: {  	s30 =	simm.s32 $0x8;
	s3 =	sadd.s32 $0xF42E00, s0;
	s5 =	smul.u32 $0xC8000, s5  }
0xa: {  	s22 =	sshrl.u32 s8, $0x1;
	s1 =	sadd.s32 s1, s9;
	s0 =	sadd.s32 s6, s0  }
0xb: {  	s6 =	ssub.s32 s8, s22;
	s23 =	sshrl.u32 s5, $0x3;
	s5 =	sadd.s32 s4, s7  }
0xc: {  	s1 =	sshll.u32 s1, $0x2;
	s22 =	simm.s32 $0x4;
	s0 =	sadd.s32 $0xA00, s0  }
0xd: {  	s24 =	sadd.s32 s4, s23;
	s7 =	sadd.s32 $0xA00, s5;
	s1 =	sadd.s32 s4, s1  }
0xe: {  	s13 =	smax.u32 s6, $0x1;
	s23 =	simm.s32 $0x10400;
	[dreg:$0x3] =	wrdreg s0  }
0xf: {  	[dreg:$0x4] =	wrdreg s7;
	s25 =	sadd.s32 $0x1400, s24;
	s26 =	sadd.s32 $0x1E00, s24  }
0x10: {  	s9 =	sadd.s32 $0x16800, s24;
	s10 =	sadd.s32 $0x17200, s24;
	s11 =	sadd.s32 $0x17C00, s24  }
0x11: {  	s12 =	sadd.s32 $0x18600, s24;
	s14 =	sadd.s32 $0x3200, s1;
	s15 =	sadd.s32 $0x4600, s1  }
0x12: {  	s16 =	sadd.s32 $0x2800, s1;
	s17 =	sadd.s32 $0x3C00, s1;
	s24 =	simm.s32 $0x1  }
0x13: {  	s1 =	simm.s32 $0x6;
	s0 =	simm.s32 $0x0;
	[dreg:$0x5] =	wrdreg s25  }
0x14: {  	[dreg:$0x6] =	wrdreg s26;
	s26 =	simm.s32 $0x15400;
	s25 =	simm.s32 $0x7  }
.LBB2_1:
0x15: {  	s4 =	rddreg [dreg:$0x3]  }
0x16: {  	[tilespmem:s2], [sflag:$0x9] =	stream.linear.gather [hbm4b:s4+s2], $0x6400, $0x38;
	[tilespmem:$0x1A400] =	vst v63  }
0x17: {  	_ =	swait.ge [sflag:s18], $0x6400  }
0x18: {  	[sflag:s18] =	ssyncset.done $0x0  }
0x19: {  	[sflag:s18] =	ssyncadd.s32 $0xFFFF9C00  }
0x1a: {  	[tilespmem:s20], [sflag:$0x1] =	stream.indirect.gather [hbm4b:s3+s19], $0x20, s2, s19, $0xb8;
	[tilespmem:$0x1A400] =	vst v63  }
0x1b: {  	_ = 	snop  }
0x1c: {  	[tilespmem:s21], [sflag:$0x2] =	stream.indirect.gather [hbm4b:s3+s19], $0x20, s19, s19, $0xb8;
	[tilespmem:$0x1A400] =	vst v63  }
0x1d: {  	s7 =	simm.s32 $0x500  }
0x1e: {  	[tilespmem:s23], [sflag:$0x3] =	stream.indirect.gather [hbm4b:s3+s19], $0x20, s7, s19, $0xb8;
	[tilespmem:$0x1A400] =	vst v63  }
0x1f: {  	_ =	swait.ge [sflag:s24], $0x5000  }
0x20: {  	[sflag:s24] =	ssyncset.done $0x0  }
0x21: {  	[sflag:s24] =	ssyncadd.s32 $0xFFFFB000  }
0x22: {  	[hbm4b:s5+s2] =	stream.linear.scatter [tilespmem:s20], [sflag:$0x5], $0x5000, $0x38;
	[tilespmem:$0x1A400] =	vst v63  }
0x23: {  	s8 =	simm.s32 $0x780  }
0x24: {  	[tilespmem:s26], [sflag:$0x4] =	stream.indirect.gather [hbm4b:s3+s19], $0x20, s8, s19, $0xb8;
	[tilespmem:$0x1A400] =	vst v63  }
0x25: {  	_ =	swait.ge [sflag:s28], $0x5000  }
0x26: {  	[sflag:s28] =	ssyncset.done $0x0  }
0x27: {  	s6 =	rddreg [dreg:$0x4];
	[sflag:s28] =	ssyncadd.s32 $0xFFFFB000  }
0x28: {  	[hbm4b:s6+s2] =	stream.linear.scatter [tilespmem:s21], [sflag:$0x6], $0x5000, $0x38;
	[tilespmem:$0x1A400] =	vst v63  }
0x29: {  	_ =	swait.ge [sflag:s29], $0x5000  }
0x2a: {  	[sflag:s29] =	ssyncset.done $0x0  }
0x2b: {  	s7 =	simm.s32 $0xA00;
	[sflag:s29] =	ssyncadd.s32 $0xFFFFB000  }
0x2c: {  	[tilespmem:s20], [sflag:$0x1] =	stream.indirect.gather [hbm4b:s3+s19], $0x20, s7, s19, $0xb8;
	[tilespmem:$0x1A400] =	vst v63  }
0x2d: {  	_ =	swait.ge [sflag:s31], $0x5000  }
0x2e: {  	[sflag:s31] =	ssyncset.done $0x0  }
0x2f: {  	s8 =	rddreg [dreg:$0x5];
	[sflag:s31] =	ssyncadd.s32 $0xFFFFB000  }
0x30: {  	[hbm4b:s8+s2] =	stream.linear.scatter [tilespmem:s23], [sflag:$0x7], $0x5000, $0x38;
	[tilespmem:$0x1A400] =	vst v63  }
0x31: {  	_ =	swait.ge [sflag:s1], $0x5000  }
0x32: {  	[sflag:s1] =	ssyncset.done $0x0  }
0x33: {  	s6 =	simm.s32 $0xC80;
	[sflag:s1] =	ssyncadd.s32 $0xFFFFB000  }
0x34: {  	[tilespmem:s21], [sflag:$0x2] =	stream.indirect.gather [hbm4b:s3+s19], $0x20, s6, s19, $0xb8;
	[tilespmem:$0x1A400] =	vst v63  }
0x35: {  	_ =	swait.ge [sflag:s22], $0x5000  }
0x36: {  	[sflag:s22] =	ssyncset.done $0x0  }
0x37: {  	s7 =	rddreg [dreg:$0x6];
	[sflag:s22] =	ssyncadd.s32 $0xFFFFB000  }
0x38: {  	[hbm4b:s7+s2] =	stream.linear.scatter [tilespmem:s26], [sflag:$0x8], $0x5000, $0x38;
	[tilespmem:$0x1A400] =	vst v63  }
0x39: {  	_ =	swait.ge [sflag:s25], $0x5000  }
0x3a: {  	[sflag:s25] =	ssyncset.done $0x0  }
0x3b: {  	s8 =	simm.s32 $0xF00;
	[sflag:s25] =	ssyncadd.s32 $0xFFFFB000  }
0x3c: {  	[tilespmem:s23], [sflag:$0x3] =	stream.indirect.gather [hbm4b:s3+s19], $0x20, s8, s19, $0xb8;
	[tilespmem:$0x1A400] =	vst v63  }
0x3d: {  	_ =	swait.ge [sflag:s24], $0x5000  }
0x3e: {  	[sflag:s24] =	ssyncset.done $0x0  }
0x3f: {  	s6 =	sadd.s32 $0x0, s16;
	[sflag:s24] =	ssyncadd.s32 $0xFFFFB000  }
0x40: {  	[hbm4b:s6+s2] =	stream.linear.scatter [tilespmem:s20], [sflag:$0x5], $0x5000, $0x38;
	[tilespmem:$0x1A400] =	vst v63  }
0x41: {  	_ =	swait.ge [sflag:s30], $0x5000  }
0x42: {  	[sflag:s30] =	ssyncset.done $0x0  }
0x43: {  	s7 =	simm.s32 $0x1180;
	[sflag:s30] =	ssyncadd.s32 $0xFFFFB000  }
0x44: {  	[tilespmem:s26], [sflag:$0x4] =	stream.indirect.gather [hbm4b:s3+s19], $0x20, s7, s19, $0xb8;
	[tilespmem:$0x1A400] =	vst v63  }
0x45: {  	_ =	swait.ge [sflag:s28], $0x5000  }
0x46: {  	[sflag:s28] =	ssyncset.done $0x0  }
0x47: {  	s8 =	sadd.s32 $0x0, s14;
	[sflag:s28] =	ssyncadd.s32 $0xFFFFB000  }
0x48: {  	[hbm4b:s8+s2] =	stream.linear.scatter [tilespmem:s21], [sflag:$0x6], $0x5000, $0x38;
	[tilespmem:$0x1A400] =	vst v63  }
0x49: {  	_ =	swait.ge [sflag:s29], $0x5000  }
0x4a: {  	[sflag:s29] =	ssyncset.done $0x0  }
0x4b: {  	s6 =	simm.s32 $0x1400;
	[sflag:s29] =	ssyncadd.s32 $0xFFFFB000  }
0x4c: {  	[tilespmem:s20], [sflag:$0x1] =	stream.indirect.gather [hbm4b:s3+s19], $0x20, s6, s19, $0xb8;
	[tilespmem:$0x1A400] =	vst v63  }
0x4d: {  	_ =	swait.ge [sflag:s31], $0x5000  }
0x4e: {  	[sflag:s31] =	ssyncset.done $0x0  }
0x4f: {  	s7 =	sadd.s32 $0x0, s17;
	[sflag:s31] =	ssyncadd.s32 $0xFFFFB000  }
0x50: {  	[hbm4b:s7+s2] =	stream.linear.scatter [tilespmem:s23], [sflag:$0x7], $0x5000, $0x38;
	[tilespmem:$0x1A400] =	vst v63  }
0x51: {  	_ =	swait.ge [sflag:s1], $0x5000  }
0x52: {  	[sflag:s1] =	ssyncset.done $0x0  }
0x53: {  	s8 =	simm.s32 $0x1680;
	[sflag:s1] =	ssyncadd.s32 $0xFFFFB000  }
0x54: {  	[tilespmem:s21], [sflag:$0x2] =	stream.indirect.gather [hbm4b:s3+s19], $0x20, s8, s19, $0xb8;
	[tilespmem:$0x1A400] =	vst v63  }
0x55: {  	_ =	swait.ge [sflag:s22], $0x5000  }
0x56: {  	[sflag:s22] =	ssyncset.done $0x0  }
0x57: {  	s4 =	simm.s32 $0x2800;
	s6 =	sadd.s32 $0x0, s15;
	[sflag:s22] =	ssyncadd.s32 $0xFFFFB000  }
.LBB2_2:
0x58: {  	[hbm4b:s6+s2] =	stream.linear.scatter [tilespmem:s26], [sflag:$0x8], $0x5000, $0x38;
	[tilespmem:$0x1A400] =	vst v63  }
0x59: {  	s6 =	smov.u32 s4  }
0x5a: {  	p0 =	sne.s32 s4, $0x11800;
	s4 =	sadd.s32 $0x2800, s4;
	_ =	swait.ge [sflag:s25], $0x5000  }
0x5b: {  	s7 =	sshra.s32 s6, $0x2;
	[sflag:s25] =	ssyncset.done $0x0  }
0x5c: {  	s8 =	sadd.s32 $0xF00, s7;
	[sflag:s25] =	ssyncadd.s32 $0xFFFFB000  }
0x5d: {  	[tilespmem:s23], [sflag:$0x3] =	stream.indirect.gather [hbm4b:s3+s19], $0x20, s8, s19, $0xb8;
	[tilespmem:$0x1A400] =	vst v63  }
0x5e: {  	_ =	swait.ge [sflag:s24], $0x5000  }
0x5f: {  	[sflag:s24] =	ssyncset.done $0x0  }
0x60: {  	s8 =	sadd.s32 s6, s16;
	[sflag:s24] =	ssyncadd.s32 $0xFFFFB000  }
0x61: {  	[hbm4b:s8+s2] =	stream.linear.scatter [tilespmem:s20], [sflag:$0x5], $0x5000, $0x38;
	[tilespmem:$0x1A400] =	vst v63  }
0x62: {  	_ =	swait.ge [sflag:s30], $0x5000  }
0x63: {  	[sflag:s30] =	ssyncset.done $0x0  }
0x64: {  	s8 =	sadd.s32 $0x1180, s7;
	[sflag:s30] =	ssyncadd.s32 $0xFFFFB000  }
0x65: {  	[tilespmem:s26], [sflag:$0x4] =	stream.indirect.gather [hbm4b:s3+s19], $0x20, s8, s19, $0xb8;
	[tilespmem:$0x1A400] =	vst v63  }
0x66: {  	_ =	swait.ge [sflag:s28], $0x5000  }
0x67: {  	[sflag:s28] =	ssyncset.done $0x0  }
0x68: {  	s8 =	sadd.s32 s6, s14;
	[sflag:s28] =	ssyncadd.s32 $0xFFFFB000  }
0x69: {  	[hbm4b:s8+s2] =	stream.linear.scatter [tilespmem:s21], [sflag:$0x6], $0x5000, $0x38;
	[tilespmem:$0x1A400] =	vst v63  }
0x6a: {  	_ =	swait.ge [sflag:s29], $0x5000  }
0x6b: {  	[sflag:s29] =	ssyncset.done $0x0  }
0x6c: {  	s8 =	sadd.s32 $0x1400, s7;
	[sflag:s29] =	ssyncadd.s32 $0xFFFFB000  }
0x6d: {  	[tilespmem:s20], [sflag:$0x1] =	stream.indirect.gather [hbm4b:s3+s19], $0x20, s8, s19, $0xb8;
	[tilespmem:$0x1A400] =	vst v63  }
0x6e: {  	_ =	swait.ge [sflag:s31], $0x5000  }
0x6f: {  	[sflag:s31] =	ssyncset.done $0x0  }
0x70: {  	s8 =	sadd.s32 s6, s17;
	[sflag:s31] =	ssyncadd.s32 $0xFFFFB000  }
0x71: {  	[hbm4b:s8+s2] =	stream.linear.scatter [tilespmem:s23], [sflag:$0x7], $0x5000, $0x38;
	[tilespmem:$0x1A400] =	vst v63  }
0x72: {  	_ =	swait.ge [sflag:s1], $0x5000  }
0x73: {  	[sflag:s1] =	ssyncset.done $0x0  }
.Ltmp0:
0x74: {  	s7 =	sadd.s32 $0x1680, s7;
	[sflag:s1] =	ssyncadd.s32 $0xFFFFB000;
	(pc) =	sbr.rel @p0 .LBB2_2-.Ltmp0, $4  }
0x75: {  	[tilespmem:s21], [sflag:$0x2] =	stream.indirect.gather [hbm4b:s3+s19], $0x20, s7, s19, $0xb8;
	[tilespmem:$0x1A400] =	vst v63  }
0x76: {  	_ =	swait.ge [sflag:s22], $0x5000  }
0x77: {  	[sflag:s22] =	ssyncset.done $0x0  }
0x78: {  	s6 =	sadd.s32 s6, s15;
	[sflag:s22] =	ssyncadd.s32 $0xFFFFB000  }
0x79: {  	[hbm4b:s6+s2] =	stream.linear.scatter [tilespmem:s26], [sflag:$0x8], $0x5000, $0x38;
	[tilespmem:$0x1A400] =	vst v63  }
0x7a: {  	_ =	swait.ge [sflag:s25], $0x5000  }
0x7b: {  	[sflag:s25] =	ssyncset.done $0x0  }
0x7c: {  	s4 =	simm.s32 $0x5F00;
	[sflag:s25] =	ssyncadd.s32 $0xFFFFB000  }
0x7d: {  	[tilespmem:s23], [sflag:$0x3] =	stream.indirect.gather [hbm4b:s3+s19], $0x20, s4, s19, $0xb8;
	[tilespmem:$0x1A400] =	vst v63  }
0x7e: {  	_ =	swait.ge [sflag:s24], $0x5000  }
0x7f: {  	[sflag:s24] =	ssyncset.done $0x0  }
0x80: {  	[sflag:s24] =	ssyncadd.s32 $0xFFFFB000  }
0x81: {  	[hbm4b:s9+s2] =	stream.linear.scatter [tilespmem:s20], [sflag:$0x5], $0x5000, $0x38;
	[tilespmem:$0x1A400] =	vst v63  }
0x82: {  	_ =	swait.ge [sflag:s30], $0x5000  }
0x83: {  	[sflag:s30] =	ssyncset.done $0x0  }
0x84: {  	s8 =	simm.s32 $0x6180;
	[sflag:s30] =	ssyncadd.s32 $0xFFFFB000  }
0x85: {  	[tilespmem:s26], [sflag:$0x4] =	stream.indirect.gather [hbm4b:s3+s19], $0x20, s8, s19, $0xb8;
	[tilespmem:$0x1A400] =	vst v63  }
0x86: {  	_ =	swait.ge [sflag:s28], $0x5000  }
0x87: {  	[sflag:s28] =	ssyncset.done $0x0  }
0x88: {  	[sflag:s28] =	ssyncadd.s32 $0xFFFFB000  }
0x89: {  	[hbm4b:s10+s2] =	stream.linear.scatter [tilespmem:s21], [sflag:$0x6], $0x5000, $0x38;
	[tilespmem:$0x1A400] =	vst v63  }
0x8a: {  	_ =	swait.ge [sflag:s31], $0x5000  }
0x8b: {  	[sflag:s31] =	ssyncset.done $0x0  }
0x8c: {  	[sflag:s31] =	ssyncadd.s32 $0xFFFFB000  }
0x8d: {  	[hbm4b:s11+s2] =	stream.linear.scatter [tilespmem:s23], [sflag:$0x7], $0x5000, $0x38;
	[tilespmem:$0x1A400] =	vst v63  }
0x8e: {  	_ =	swait.ge [sflag:s22], $0x5000  }
0x8f: {  	[sflag:s22] =	ssyncset.done $0x0  }
0x90: {  	[sflag:s22] =	ssyncadd.s32 $0xFFFFB000  }
0x91: {  	[hbm4b:s12+s2] =	stream.linear.scatter [tilespmem:s26], [sflag:$0x8], $0x5000, $0x38;
	[tilespmem:$0x1A400] =	vst v63  }
0x92: {  	_ =	swait.ge [sflag:s29], $0x5000  }
0x93: {  	[sflag:s29] =	ssyncset.done $0x0  }
0x94: {  	[sflag:s29] =	ssyncadd.s32 $0xFFFFB000  }
0x95: {  	_ =	swait.ge [sflag:s1], $0x5000  }
0x96: {  	[sflag:s1] =	ssyncset.done $0x0  }
0x97: {  	s0 =	sadd.s32 $0x1, s0;
	[sflag:s1] =	ssyncadd.s32 $0xFFFFB000  }
0x98: {  	p0 =	sne.s32 s0, s13;
	_ =	swait.ge [sflag:s25], $0x5000  }
.Ltmp1:
0x99: {  	[sflag:s25] =	ssyncset.done $0x0;
	(pc) =	sbr.rel @p0 .LBB2_1-.Ltmp1, $4  }
0x9a: {  	[sflag:s25] =	ssyncadd.s32 $0xFFFFB000  }
0x9b: {  	_ =	swait.ge [sflag:s30], $0x5000  }
0x9c: {  	[sflag:s30] =	ssyncset.done $0x0  }
0x9d: {  	[sflag:s30] =	ssyncadd.s32 $0xFFFFB000  }
0x9e: {  	_ =	sfence.sel $0x180000  }
0x9f: {  	[bflag:$0x0] =	sbarrier.arrive $0xFFFF  }
0xa0: {  	_ =	strace $0x90000047  }
0xa1: {  	s0 =	stileid.u32;
	[bflag:$0x2] =	sbarrier.arrive $0xFFFF  }
0xa2: {  	p0 =	sne.s32 s0, $0x0;
	s0 =	rddreg [dreg:$0x2]  }
0xa3: {  	s0 =	sadd.s32 @!p0 $0x100000, s0  }
0xa4: {  	[sflag:s0] =	ssyncadd.tile.s32 @!p0 $0x1;
	_ =	shalt  }
.Lfunc_end2:
_tile_overlayer_lowered:
.L_overlay_start_2:
0xa5: {  	(tag) =	ssettag $0x2  }
0xa6: {  	s0 =	rddreg [dreg:$0x0];
	s2 =	stileid.u32  }
0xa7: {  	s1 =	rddreg [dreg:$0x1];
	p0 =	sne.s32 s2, $0x0  }
0xa8: {  	s3 =	rddreg [dreg:$0x2];
	[bflag:$0x3] =	sbarrier.arrive $0xFFFF;
	s2 =	simm.s32 @!p0 $0x1C09  }
0xa9: {  	[timem:s3], [sflag:s2] =	dma.local @!p0 [hbm:s0], s1  }
0xaa: {  	s0 =	simm.s32 @!p0 $0x9  }
0xab: {  	_ =	swait.ge @!p0 [sflag:s0], s1  }
0xac: {  	s1 =	ssub.s32 @!p0 $0x0, s1;
	[sflag:s0] =	ssyncset.done @!p0 $0x0  }
0xad: {  	[sflag:s0] =	ssyncadd.s32 @!p0 s1  }
0xae: {  	[bflag:$0x3] =	sbarrier.arrive $0xFFFF  }
0xaf: {  	_ =	shalt  }

// kernel: sparse-core-data-format-call.cloned.1.call-start
scs
called_computation_lowered:
.L_overlay_start_0:
0x0: {  	s2 =	sld [smem:$0x3FD9]  }
0x1: {  	s3 =	sld [smem:$0x3FFE];
	_ =	sdelay $0x1  }
0x2: {  	s1 =	srdreg.scid  }
0x3: {  	s0 =	sand.u32 $0x1, s1  }
0x4: {  	s18 =	sshll.u32 s0, $0xA;
	s2 =	sadd.s32 s3, s2  }
0x5: {  	s2 =	sadd.s32 s2, s18  }
0x6: {  	[smem:$0x3FC6] =	sst s2  }
0x7: {  	_ = 	snop  }
0x8: {  	s2 =	sld [smem:$0x3FD0];
	(tm) =	ssettm $0x1  }
0x9: {  	s19 =	sld [smem:$0x3FFB];
	_ =	sdelay $0x3  }
0xa: {  	_ =	strace s19  }
0xb: {  	s3 =	sld [smem:$0x3FFC];
	_ =	sdelay $0x3  }
0xc: {  	_ =	strace s3  }
0xd: {  	s3 =	sld [smem:$0x3FFD];
	_ =	sdelay $0x3  }
0xe: {  	_ =	strace s3  }
0xf: {  	_ =	strace $0x8FFFFFFF  }
0x10: {  	s20 =	sld [smem:$0x3FDB];
	_ =	sdelay $0x1  }
0x11: {  	s4 =	simm.s32 $_scs_section_size  }
0x12: {  	s5 =	simm.s32 $_size__tile_overlayer_lowered;
	s6 =	simm.s32 $_tile_overlayer_lowered  }
0x13: {  	s23 =	simm.s32 $0x1BFF;
	s22 =	sshll.u32 s6, $0x1;
	s3 =	sadd.s32 s4, s20  }
0x14: {  	s7 =	simm.s32 $0x0;
	s21 =	sshll.u32 s5, $0x1;
	s5 =	sadd.s32 s22, s3  }
0x15: {  	[timem:s7], [sflag:s23] =	dma.local [hbm:s5], s21  }
0x16: {  	_ =	swait.ge [sflag:s23], s21  }
0x17: {  	s4 =	ssub.s32 $0x0, s21;
	[sflag:s23] =	ssyncset.done $0x0  }
0x18: {  	[sflag:s23] =	ssyncadd.s32 s4;
	_ =	sdelay $0x1  }
0x19: {  	s24 =	simm.s32 $0x1B8B  }
0x1a: {  	_ =	swait.ge [sflag:s24], $0x1  }
0x1b: {  	[sflag:s24] =	ssyncset.done $0x0  }
0x1c: {  	s26 =	simm.s32 $0x1B8E;
	s25 =	sld [smem:$0x3FFE];
	[sflag:s24] =	ssyncadd.s32 $0xFFFFFFFF  }
0x1d: {  	s27 =	simm.s32 $execute0_lowered;
	[smem:$0x3FD2] =	sst s26  }
0x1e: {  	s5 =	sshll.u32 s27, $0x1;
	_ =	strace $0x80000049;
	[dreg:$0x1] =	wrdreg $0xFFFFFFFF  }
0x1f: {  	s28 =	simm.s32 $_size_execute0_lowered;
	s3 =	sadd.s32 s3, s5;
	[dreg:$0x0] =	wrdreg $0x0  }
0x20: {  	s5 =	sshll.u32 s28, $0x1;
	[dreg:$0x2] =	wrdreg s3  }
0x21: {  	[dreg:$0x3] =	wrdreg s5  }
0x22: {  	[dreg:$0x4] =	wrdreg $0xC0  }
0x23: {  	_ =	task [dreg:s7], $0x5FFFF  }
0x24: {  	[dreg:$0x1] =	wrdreg $0xFFFFFFFF  }
0x25: {  	[dreg:$0x0] =	wrdreg $0x60  }
0x26: {  	[dreg:$0x2] =	wrdreg s25  }
0x27: {  	[dreg:$0x3] =	wrdreg s2  }
0x28: {  	[dreg:$0x4] =	wrdreg $0x9  }
0x29: {  	_ =	task.clear_ibuf [dreg:s7], $0x5FFFF;
	_ =	strace $0x90000049  }
0x2a: {  	s29 =	simm.s32 $0x9;
	_ =	strace $0x8000004B  }
0x2b: {  	_ =	swait.ge [sflag:s29], $0x1  }
0x2c: {  	[sflag:s29] =	ssyncadd.s32 $0xFFFFFFFF  }
0x2d: {  	_ =	strace $0x9000004B  }
0x2e: {  	_ =	sfence  }
0x2f: {  	s30 =	sld [smem:$0x0];
	_ =	sdelay $0x2  }
0x30: {  	s31 =	sshll.u32 s1, $0xD;
	s1 =	sshrl.u32 s1, $0x2  }
0x31: {  	s3 =	sand.u32 $0x4000, s31;
	s1 =	sadd.s32 s1, s30  }
0x32: {  	s0 =	sor.u32 s3, s0;
	s1 =	sshll.u32 s1, $0x11  }
0x33: {  	s0 =	sor.u32 s1, s0  }
0x34: {  	s0 =	sadd.s32 $0x8F2B, s0  }
0x35: {  	[sflag:s0] =	ssyncadd.remote.s32 $0x1  }
0x36: {  	_ =	sfence.sel $0xFFFF  }
0x37: {  	[dreg:$0x0] =	wrdreg $0xFFFFFFFF;
	(pc) =	sbr.abs _section_cstart, $3  }
0x38: {  	[dreg:$0x1] =	wrdreg $0xFFFFFFFF  }
0x39: {  	_ =	task.clear_ibuf [dreg:s7], $0x2FFFF;
	_ =	strace $0x9FFFFFFF  }
0x3a: {  	(tm) =	ssettm $0x7FFFFFFF  }
0x3b: {  	_ =	shalt  }
tec
execute0_lowered:
.L_overlay_start_1:
0x0: {  	(tag) =	ssettag $0x1  }
0x1: {  	s0 =	srdreg.scid;
	s5 =	rddreg [dreg:$0x0]  }
0x2: {  	s2 =	rddreg [dreg:$0x1];
	s1 =	sshll.u32 s0, $0x4  }
0x3: {  	s9 =	simm.s32 $0x2;
	s0 =	stileid.u32;
	s1 =	sand.u32 $0x10, s1  }
0x4: {  	s15 =	simm.s32 $0x0;
	s11 =	simm.s32 $0x400;
	s4 =	sor.u32 s0, s1  }
0x5: {  	s12 =	simm.s32 $0x8000;
	s16 =	simm.s32 $0x0;
	s3 =	sshll.u32 s4, $0x7  }
0x6: {  	s13 =	simm.s32 $0x0;
	s1 =	rddreg [dreg:$0x2];
	s6 =	ssub.s32 $0x1000, s3  }
0x7: {  	_ =	strace $0x8000004A;
	s8 =	sshll.u32 s4, $0xB;
	s7 =	sand.u32 $0xF80, s6  }
0x8: {  	s4 =	simm.s32 $0x1;
	p0 =	sne.s32 s7, $0x0;
	s7 =	simm.s32 $0x1  }
.Ltmp0:
0x9: {  	s6 =	sshrl.u32 s6, $0xC;
	s7 =	simm.s32 @!p0 $0x0;
	(pc) =	sbr.rel .LBB1_1-.Ltmp0, $4  }
0xa: {  	s14 =	simm.s32 $0x0;
	[sflag:s4] =	ssyncpa.u1 $0x0;
	s6 =	sadd.s32 s7, s6  }
0xb: {  	s10 =	sadd.s32 s8, s5;
	[sflag:s9] =	ssyncpa.u1 $0x0;
	s5 =	smul.u32 $0x32, s6  }
0xc: {  	s8 =	sadd.s32 $0x20A00, s10;
	s9 =	sadd.s32 $0x30A00, s10;
	p0 =	por $0x0, $0x0  }
0xd: {  	s7 =	sadd.s32 $0x10A00, s10;
	s6 =	sadd.s32 $0xA00, s10;
	s10 =	sor.u32 $0x1, s5  }
.LBB1_7:
0xe: {  	s17 =	sadd.s32 $0x4, s13  }
0xf: {  	p2 =	sgt.s32 s17, $0xC7  }
0x10: {  	s17 =	simm.s32 @p2 $0x0;
	p2 =	sne.s32 s14, s10  }
.Ltmp1:
0x11: {  	p1 =	slt.u32 s14, $0x2;
	(pc) =	sbr.rel @!p2 .LBB1_8-.Ltmp1, $4  }
0x12: {  	s15 =	simm.s32 @!p1 $0x2  }
0x13: {  	s18 =	sadd.s32 $0x1, s14;
	s16 =	smov.u32 s13;
	_ =	swait.ge @!p1 [sflag:s15], $0x4000  }
0x14: {  	p0 =	por !p0, !p0;
	s14 =	smov.u32 s18;
	[sflag:s15] =	ssyncset.done @!p1 $0x0  }
0x15: {  	s13 =	smov.u32 s17;
	[sflag:s15] =	ssyncadd.s32 @!p1 $0xFFFFC000;
	s15 =	smov.u32 s3  }
.LBB1_1:
0x16: {  	p1 =	sge.u32 s14, s5  }
0x17: {  	s17 =	sxor.u32 @!p1 $0xFFFFFFFF, s14  }
0x18: {  	s18 =	sshll.u32 @!p1 s13, $0x10;
	s20 =	simm.s32 @!p1 $0x20;
	s17 =	sshll.u32 @!p1 s17, $0xE  }
0x19: {  	s21 =	simm.s32 @!p1 $0x80;
	s19 =	sadd.s32 @!p1 s18, s6;
	s17 =	sand.u32 @!p1 $0x4000, s17  }
0x1a: {  	[tilespmem:s17], [sflag:$0x1] =	stream.strided.gather @!p1 [hbm4b:s19+s20], $0x1000, s21, s20, $0x38;
	[tilespmem:$0x10100] =	vst v63  }
0x1b: {  	s19 =	sadd.s32 @!p1 s18, s7;
	s22 =	sor.u32 @!p1 $0x1000, s17  }
0x1c: {  	[tilespmem:s22], [sflag:$0x1] =	stream.strided.gather @!p1 [hbm4b:s19+s20], $0x1000, s21, s20, $0x38;
	[tilespmem:$0x10100] =	vst v63  }
0x1d: {  	s19 =	sadd.s32 @!p1 s18, s8;
	s22 =	sor.u32 @!p1 $0x2000, s17  }
0x1e: {  	[tilespmem:s22], [sflag:$0x1] =	stream.strided.gather @!p1 [hbm4b:s19+s20], $0x1000, s21, s20, $0x38;
	[tilespmem:$0x10100] =	vst v63  }
0x1f: {  	s31 =	sadd.s32 $0xFFFFFFFF, s14;
	s18 =	sadd.s32 @!p1 s18, s9;
	s17 =	sor.u32 @!p1 $0x3000, s17  }
0x20: {  	[tilespmem:s17], [sflag:$0x1] =	stream.strided.gather @!p1 [hbm4b:s18+s20], $0x1000, s21, s20, $0x38;
	[tilespmem:$0x10100] =	vst v63  }
0x21: {  	p1 =	sge.u32 s31, s5  }
.Ltmp2:
0x22: {  	_ = 	snop;
	(pc) =	sbr.rel @p1 .LBB1_7-.Ltmp2, $1  }
0x23: {  	_ =	sdelay $0x3  }
0x24: {  	s18 =	simm.s32 $0x1;
	s19 =	sand.u32 $0x1, s14  }
0x25: {  	_ =	swait.ge [sflag:s4], $0x4000;
	s18 =	simm.s32 @!p0 $0x0;
	s20 =	smul.u32 $0x10200, s19  }
0x26: {  	[sflag:s4] =	ssyncset.done $0x0;
	s17 =	smul.u32 $0x10200, s18  }
0x27: {  	s18 =	sshll.u32 s18, $0xE;
	[sflag:s4] =	ssyncadd.s32 $0xFFFFC000  }
0x28: {  	s19 =	sor.u32 $0x10, s18;
	s31 =	sshrl.u32 s20, $0x2;
	s17 =	sshrl.u32 s17, $0x2  }
0x29: {  	s20 =	simm.s32 $0x0;
	s18 =	sor.u32 $0x8000, s31;
	s17 =	sor.u32 $0x8000, s17  }
.LBB1_3:
0x2a: {  	v1 =	vld [tilespmem:s19+$0x0]  }
0x2b: {  	v0 =	vld [tilespmem:s19+$0xFFFFFFF0];
	_ =	sdelay $0x2  }
0x2c: {  	s23 =	sadd.s32 $0x0, s17  }
0x2d: {  	s21 =	simm.s32 $0x4;
	s22 =	sadd.s32 $0x20, s19;
	[tilespmem:s23+$0x810 ss:$0x81] =	vst.msk $0xffff, v1  }
.LBB1_4:
0x2e: {  	v1 =	vld [tilespmem:s22+$0x0];
	p1 =	sne.s32 s21, $0x1FC;
	[tilespmem:s23+$0x0 ss:$0x81] =	vst.msk $0xffff, v0;
	s23 =	smov.u32 s21;
	s21 =	sadd.s32 $0x4, s21  }
.Ltmp3:
0x2f: {  	v0 =	vld [tilespmem:s22+$0xFFFFFFF0];
	(pc) =	sbr.rel @p1 .LBB1_4-.Ltmp3, $4  }
0x30: {  	_ = 	snop  }
0x31: {  	s23 =	sshra.s32 s23, $0x2  }
0x32: {  	s23 =	sadd.s32 s23, s17  }
0x33: {  	s22 =	sadd.s32 $0x20, s22;
	[tilespmem:s23+$0x810 ss:$0x81] =	vst.msk $0xffff, v1  }
0x34: {  	s20 =	sadd.s32 $0x1, s20  }
0x35: {  	p1 =	sne.s32 s20, $0x4  }
.Ltmp4:
0x36: {  	_ = 	snop;
	(pc) =	sbr.rel @p1 .LBB1_3-.Ltmp4, $2  }
0x37: {  	_ =	sdelay $0x2  }
0x38: {  	[tilespmem:s23+$0x0 ss:$0x81] =	vst.msk $0xffff, v0;
	s17 =	sadd.s32 $0x1020, s17;
	s19 =	sadd.s32 $0x1000, s19  }
.Ltmp5:
0x39: {  	(pc) =	sbr.rel .LBB1_7-.Ltmp5, $4  }
0x3a: {  	s16 =	sshll.u32 s16, $0xE  }
0x3b: {  	s16 =	sadd.s32 s2, s16  }
0x3c: {  	s15 =	sadd.s32 s15, s16  }
0x3d: {  	[hbm4b:s15+s11] =	stream.strided.scatter [tilespmem:s18], [sflag:$0x2], $0x4000, s12, s11, $0x20;
	[tilespmem:$0x10100] =	vst v63  }
.LBB1_8:
0x3e: {  	_ =	sfence.sel $0x180000  }
0x3f: {  	s2 =	simm.s32 $0x1;
	[bflag:$0x0] =	sbarrier.arrive $0xFFFF  }
0x40: {  	s31 =	simm.s32 $0x2;
	[sflag:s2] =	ssyncpa.u1 $0x1  }
0x41: {  	[sflag:s31] =	ssyncpa.u1 $0x1  }
0x42: {  	p0 =	sne.s32 s0, $0x0;
	_ =	strace $0x9000004A  }
0x43: {  	s0 =	sadd.s32 @!p0 $0x100000, s1;
	[bflag:$0x2] =	sbarrier.arrive $0xFFFF  }
0x44: {  	[sflag:s0] =	ssyncadd.tile.s32 @!p0 $0x1;
	_ =	shalt  }
.Lfunc_end1:
_tile_overlayer_lowered:
.L_overlay_start_2:
0x45: {  	(tag) =	ssettag $0x2  }
0x46: {  	s0 =	rddreg [dreg:$0x0];
	s2 =	stileid.u32  }
0x47: {  	s1 =	rddreg [dreg:$0x1];
	p0 =	sne.s32 s2, $0x0  }
0x48: {  	s3 =	rddreg [dreg:$0x2];
	[bflag:$0x3] =	sbarrier.arrive $0xFFFF;
	s2 =	simm.s32 @!p0 $0x1C01  }
0x49: {  	[timem:s3], [sflag:s2] =	dma.local @!p0 [hbm:s0], s1  }
0x4a: {  	s0 =	simm.s32 @!p0 $0x1  }
0x4b: {  	_ =	swait.ge @!p0 [sflag:s0], s1  }
0x4c: {  	s1 =	ssub.s32 @!p0 $0x0, s1;
	[sflag:s0] =	ssyncset.done @!p0 $0x0  }
0x4d: {  	[sflag:s0] =	ssyncadd.s32 @!p0 s1  }
0x4e: {  	[bflag:$0x3] =	sbarrier.arrive $0xFFFF  }
0x4f: {  	_ =	shalt  }

</sc_bundles>
